<compile_context>
chip_gen: v7x
topology: tpu7x:2x2x1
jax: 0.10.2.dev20260603
libtpu: 0.0.44.dev20260713+nightly
codegen_flags: <defaults>
</compile_context>

<pallas_src>
import functools

import jax
import jax.numpy as jnp
from jax import lax
from jax.experimental import pallas as pl
from jax.experimental.pallas import tpu as pltpu
from jax.experimental.pallas import tpu_sc as plsc

N = 10000
E = 320000
D = 128

NC = 2
NS = 16
NW = NC * NS

CH = 128
NCH = 80
E_PAD = NW * NCH * CH
NP = 10240
RPT = NP // NS

_mesh = plsc.VectorSubcoreMesh(core_axis_name="c", subcore_axis_name="s")


@functools.partial(
    pl.kernel,
    out_type=jax.ShapeDtypeStruct((NC, NP, D), jnp.float32),
    mesh=_mesh,
    scratch_types=[
        pltpu.VMEM_SHARED((NP, D), jnp.float32),
        pltpu.VMEM((CH, D), jnp.float32),
        pltpu.VMEM((CH, D), jnp.float32),
        pltpu.VMEM((CH,), jnp.int32),
        pltpu.VMEM((CH,), jnp.int32),
        pltpu.VMEM((CH,), jnp.int32),
        pltpu.VMEM((CH,), jnp.int32),
        pltpu.VMEM((CH,), jnp.int32),
        pltpu.VMEM((CH,), jnp.int32),
        pltpu.VMEM((CH,), jnp.int32),
        pltpu.VMEM((CH,), jnp.int32),
        pltpu.SemaphoreType.DMA,
        pltpu.SemaphoreType.DMA,
        pltpu.SemaphoreType.DMA,
        pltpu.SemaphoreType.DMA,
        pltpu.SemaphoreType.DMA,
        pltpu.SemaphoreType.DMA,
        pltpu.SemaphoreType.DMA,
        pltpu.SemaphoreType.DMA,
        pltpu.SemaphoreType.DMA,
        pltpu.SemaphoreType.DMA,
        pltpu.SemaphoreType.DMA,
        pltpu.SemaphoreType.DMA,
    ],
)
def _spmm_sc(x_hbm, srcp_hbm, dstp_hbm, zeros_hbm, out_hbm,
             acc, r0b, r1b, s0, s1, s2, s3, d0, d1, d2, d3,
             g0, g1, i0, i1, i2, i3, k0, k1, k2, k3, t0, t1):
    rows = [r0b, r1b]
    sbuf = [s0, s1, s2, s3]
    dbuf = [d0, d1, d2, d3]
    gsem = [g0, g1]
    isem = [i0, i1, i2, i3]
    dsem = [k0, k1, k2, k3]
    ssem = [t0, t1]
    c = lax.axis_index("c")
    sid = lax.axis_index("s")
    w = sid * NC + c

    row0 = sid * RPT
    pltpu.sync_copy(zeros_hbm.at[pl.ds(row0, RPT)], acc.at[pl.ds(row0, RPT)])
    plsc.subcore_barrier()

    e0 = w * NCH * CH

    for j in range(4):
        pltpu.async_copy(srcp_hbm.at[pl.ds(e0 + j * CH, CH)], sbuf[j], isem[j])
        pltpu.async_copy(dstp_hbm.at[pl.ds(e0 + j * CH, CH)], dbuf[j], dsem[j])
    pltpu.make_async_copy(
        srcp_hbm.at[pl.ds(e0, CH)], sbuf[0], isem[0]).wait()
    pltpu.async_copy(x_hbm.at[sbuf[0]], rows[0], gsem[0])

    def group(g, _):
        for u in range(4):
            j = g * 4 + u
            b = u % 2
            pltpu.make_async_copy(x_hbm.at[sbuf[u]], rows[b], gsem[b]).wait()
            pltpu.make_async_copy(
                dstp_hbm.at[pl.ds(e0 + j * CH, CH)], dbuf[u], dsem[u]).wait()

            pltpu.async_copy(rows[b], acc.at[dbuf[u]], ssem[b], add=True)

            @pl.when(j + 1 < NCH)
            def _():
                uu = (u + 1) % 4
                up = (u + 3) % 4

                @pl.when(j >= 1)
                def _():
                    pltpu.make_async_copy(
                        rows[1 - b], acc.at[dbuf[up]], ssem[1 - b]).wait()

                pltpu.make_async_copy(
                    srcp_hbm.at[pl.ds(e0 + (j + 1) * CH, CH)],
                    sbuf[uu], isem[uu]).wait()
                pltpu.async_copy(x_hbm.at[sbuf[uu]], rows[1 - b], gsem[1 - b])

                @pl.when((j >= 1) & (j + 3 < NCH))
                def _():
                    pltpu.async_copy(
                        dstp_hbm.at[pl.ds(e0 + (j + 3) * CH, CH)],
                        dbuf[up], dsem[up])

            @pl.when(j + 4 < NCH)
            def _():
                pltpu.async_copy(
                    srcp_hbm.at[pl.ds(e0 + (j + 4) * CH, CH)], sbuf[u], isem[u])
        return 0

    lax.fori_loop(0, NCH // 4, group, 0)

    pltpu.make_async_copy(rows[0], acc.at[dbuf[2]], ssem[0]).wait()
    pltpu.make_async_copy(rows[1], acc.at[dbuf[3]], ssem[1]).wait()

    plsc.subcore_barrier()
    pltpu.sync_copy(acc.at[pl.ds(row0, RPT)], out_hbm.at[c, pl.ds(row0, RPT)])


BR = 2000


def _dense_body(p_ref, wt_ref, b_ref, a_ref, o_ref):
    neigh = p_ref[0] + p_ref[1]
    h = jnp.dot(neigh, wt_ref[...], preferred_element_type=jnp.float32)
    h = h + b_ref[...]
    a = a_ref[0, 0]
    h = jnp.where(h >= 0, h, a * h)
    m = jnp.max(h, axis=1, keepdims=True)
    e = jnp.exp(h - m)
    o_ref[...] = e / jnp.sum(e, axis=1, keepdims=True)


def kernel(x, edge_index, W, b, prelu_a):
    ei = edge_index.astype(jnp.int32)
    ppt = NCH * CH - E // NW
    i_pad = jnp.arange(ppt, dtype=jnp.int32)[None, :]
    w_pad = jnp.arange(NW, dtype=jnp.int32)[:, None]
    spad = (i_pad * 41 + w_pad * 313) % N
    dpad = N + (i_pad + w_pad * 8) % (NP - N)
    srcp = jnp.concatenate([ei[0].reshape(NW, E // NW), spad], axis=1).reshape(-1)
    dstp = jnp.concatenate([ei[1].reshape(NW, E // NW), dpad], axis=1).reshape(-1)
    zeros = jnp.zeros((NP, D), jnp.float32)

    parts = _spmm_sc(x, srcp, dstp, zeros)

    wt = W.T
    b2 = b.reshape(1, D)
    a2 = prelu_a.reshape(1, 1)

    out = pl.pallas_call(
        _dense_body,
        grid=(N // BR,),
        in_specs=[
            pl.BlockSpec((NC, BR, D), lambda i: (0, i, 0)),
            pl.BlockSpec((D, D), lambda i: (0, 0)),
            pl.BlockSpec((1, D), lambda i: (0, 0)),
            pl.BlockSpec(memory_space=pltpu.SMEM),
        ],
        out_specs=pl.BlockSpec((BR, D), lambda i: (i, 0)),
        out_shape=jax.ShapeDtypeStruct((N, D), jnp.float32),
    )(parts, wt, b2, a2)
    return out

# --- scband reference (transcript-rebuilt; emitter-appended) ---
"""Pipeline reference for scband-encoder-48653389529421 (READ-ONLY COPY).

The authoritative reference and input builder live on the scoring server;
editing this copy changes nothing except your own understanding.
"""

import jax, jax.numpy as jnp
import numpy as np

N = 10000
E = 320000
X_DIM = 128
H_DIM = 128

def setup_inputs(seed: int = 0) -> dict:
    key = jax.random.key(seed)
    k1, k2, k3 = jax.random.split(key, 3)
    x = jax.random.normal(k1, (N, X_DIM), dtype=jnp.float32)
    edge_index = jax.random.randint(k2, (2, E), 0, N, dtype=jnp.int64)
    # Learned params: nn.Linear(x_dim, h_dim) + PReLU single weight (default 0.25)
    W = jax.random.normal(k3, (H_DIM, X_DIM), dtype=jnp.float32) * 0.05
    b = jnp.zeros((H_DIM,), dtype=jnp.float32)
    prelu_a = jnp.array(0.25, dtype=jnp.float32)
    return {"x": x, "edge_index": edge_index, "W": W, "b": b, "prelu_a": prelu_a}

def reference(x, edge_index, W, b, prelu_a):
    # torch.sparse.mm(adj, x) with binary adjacency == scatter-add of gathered
    # source features into destination rows.
    src = edge_index[0]
    dst = edge_index[1]
    msgs = jnp.take(x, src, axis=0)                      # gather  [E, x_dim]
    neigh = jax.ops.segment_sum(msgs, dst, num_segments=N)  # scatter-add [N, x_dim]
    h = neigh @ W.T + b                                   # nn.Linear
    h = jnp.where(h >= 0, h, prelu_a * h)                 # PReLU (single shared weight)
    return jax.nn.softmax(h, axis=1)

if __name__ == "__main__":
    import jax
    _d = setup_inputs()
    print(jax.jit(kernel)(*tuple(_d.values())))

</pallas_src>

<mosaic_0001>
#map = affine_map<(d0, d1) -> (0, 0)>
#map1 = affine_map<(d0, d1) -> (0)>
#map2 = affine_map<(d0, d1) -> (0, 0, 0)>
module attributes {stable_mosaic.version = 14 : i64} {
  func.func @_spmm_sc(%arg0: i32, %arg1: i32, %arg2: memref<10000x128xf32, #tpu.memory_space<hbm>>, %arg3: memref<327680xi32, #tpu.memory_space<hbm>>, %arg4: memref<327680xi32, #tpu.memory_space<hbm>>, %arg5: memref<10240x128xf32, #tpu.memory_space<hbm>>, %arg6: memref<2x10240x128xf32, #tpu.memory_space<hbm>>, %arg7: memref<10240x128xf32, #tpu.memory_space<vmem_shared>>, %arg8: memref<128x128xf32, #tpu.memory_space<vmem>>, %arg9: memref<128x128xf32, #tpu.memory_space<vmem>>, %arg10: memref<128xi32, #tpu.memory_space<vmem>>, %arg11: memref<128xi32, #tpu.memory_space<vmem>>, %arg12: memref<128xi32, #tpu.memory_space<vmem>>, %arg13: memref<128xi32, #tpu.memory_space<vmem>>, %arg14: memref<128xi32, #tpu.memory_space<vmem>>, %arg15: memref<128xi32, #tpu.memory_space<vmem>>, %arg16: memref<128xi32, #tpu.memory_space<vmem>>, %arg17: memref<128xi32, #tpu.memory_space<vmem>>, %arg18: memref<!tpu.dma_semaphore, #tpu.memory_space<semaphore_mem>>, %arg19: memref<!tpu.dma_semaphore, #tpu.memory_space<semaphore_mem>>, %arg20: memref<!tpu.dma_semaphore, #tpu.memory_space<semaphore_mem>>, %arg21: memref<!tpu.dma_semaphore, #tpu.memory_space<semaphore_mem>>, %arg22: memref<!tpu.dma_semaphore, #tpu.memory_space<semaphore_mem>>, %arg23: memref<!tpu.dma_semaphore, #tpu.memory_space<semaphore_mem>>, %arg24: memref<!tpu.dma_semaphore, #tpu.memory_space<semaphore_mem>>, %arg25: memref<!tpu.dma_semaphore, #tpu.memory_space<semaphore_mem>>, %arg26: memref<!tpu.dma_semaphore, #tpu.memory_space<semaphore_mem>>, %arg27: memref<!tpu.dma_semaphore, #tpu.memory_space<semaphore_mem>>, %arg28: memref<!tpu.dma_semaphore, #tpu.memory_space<semaphore_mem>>, %arg29: memref<!tpu.dma_semaphore, #tpu.memory_space<semaphore_mem>>) attributes {dimension_semantics = [#tpu.dimension_semantics<core_parallel>, #tpu.dimension_semantics<subcore_parallel>], iteration_bounds = array<i64: 2, 16>, scalar_prefetch = 0 : i64, scratch_operands = 23 : i64, tpu.core_type = #tpu.core_type<sc_vector_subcore>, window_params = [{transform_indices = #map}, {transform_indices = #map1}, {transform_indices = #map1}, {transform_indices = #map}, {transform_indices = #map2}]} {
    %mul3A = arith.constant 2 : i32
    %mul3A_0 = arith.muli %arg1, %mul3A : i32
    %add3A = arith.addi %mul3A_0, %arg0 : i32
    %mul3A_1 = arith.constant 640 : i32
    %mul3A_2 = arith.muli %arg1, %mul3A_1 : i32
    "tpu.region"() ({
      %run_scoped3A = tpu.sem_alloc : memref<!tpu.dma_semaphore, #tpu.memory_space<semaphore_mem>>
      %dma_start3A_55 = arith.constant 0 : i32
      %dma_start3A_56 = tpu.memref_slice %arg7[%mul3A_2, %dma_start3A_55] : memref<10240x128xf32, #tpu.memory_space<vmem_shared>> -> memref<640x128xf32, #tpu.memory_space<vmem_shared>>
      %dma_start3A_57 = arith.constant 0 : i32
      %dma_start3A_58 = tpu.memref_slice %arg5[%mul3A_2, %dma_start3A_57] : memref<10240x128xf32, #tpu.memory_space<hbm>> -> memref<640x128xf32, #tpu.memory_space<hbm>>
      tpu.enqueue_dma source(%dma_start3A_58 : memref<640x128xf32, #tpu.memory_space<hbm>>) target(%dma_start3A_56 : memref<640x128xf32, #tpu.memory_space<vmem_shared>>) target_semaphore(%run_scoped3A : memref<!tpu.dma_semaphore, #tpu.memory_space<semaphore_mem>>)
      %dma_wait3A_59 = arith.constant 0 : i32
      %dma_wait3A_60 = tpu.memref_slice %arg7[%mul3A_2, %dma_wait3A_59] : memref<10240x128xf32, #tpu.memory_space<vmem_shared>> -> memref<640x128xf32, #tpu.memory_space<vmem_shared>>
      %dma_wait3A_61 = arith.constant 0 : i32
      %dma_wait3A_62 = tpu.memref_slice %arg5[%mul3A_2, %dma_wait3A_61] : memref<10240x128xf32, #tpu.memory_space<hbm>> -> memref<640x128xf32, #tpu.memory_space<hbm>>
      tpu.wait_dma2 semaphore(%run_scoped3A : memref<!tpu.dma_semaphore, #tpu.memory_space<semaphore_mem>>) src(%dma_wait3A_62 : memref<640x128xf32, #tpu.memory_space<hbm>>) dst(%dma_wait3A_60 : memref<640x128xf32, #tpu.memory_space<vmem_shared>>)
      tpu.yield
    }) : () -> ()
    %barrier3A = arith.constant 0 : index
    tpu.barrier barrier_id(%barrier3A)
    %mul3A_3 = arith.constant 80 : i32
    %mul3A_4 = arith.muli %add3A, %mul3A_3 : i32
    %mul3A_5 = arith.constant 128 : i32
    %mul3A_6 = arith.muli %mul3A_4, %mul3A_5 : i32
    %add3A_7 = arith.constant 0 : i32
    %add3A_8 = arith.addi %mul3A_6, %add3A_7 : i32
    %dma_start3A = tpu.memref_slice %arg3[%add3A_8] : memref<327680xi32, #tpu.memory_space<hbm>> -> memref<128xi32, #tpu.memory_space<hbm>>
    %dma_start3A_9 = tpu.memref_slice %arg3[%add3A_8] : memref<327680xi32, #tpu.memory_space<hbm>> -> memref<128xi32, #tpu.memory_space<hbm>>
    tpu.enqueue_dma source(%dma_start3A_9 : memref<128xi32, #tpu.memory_space<hbm>>) target(%arg10 : memref<128xi32, #tpu.memory_space<vmem>>) target_semaphore(%arg20 : memref<!tpu.dma_semaphore, #tpu.memory_space<semaphore_mem>>)
    %add3A_10 = arith.constant 0 : i32
    %add3A_11 = arith.addi %mul3A_6, %add3A_10 : i32
    %dma_start3A_12 = tpu.memref_slice %arg4[%add3A_11] : memref<327680xi32, #tpu.memory_space<hbm>> -> memref<128xi32, #tpu.memory_space<hbm>>
    %dma_start3A_13 = tpu.memref_slice %arg4[%add3A_11] : memref<327680xi32, #tpu.memory_space<hbm>> -> memref<128xi32, #tpu.memory_space<hbm>>
    tpu.enqueue_dma source(%dma_start3A_13 : memref<128xi32, #tpu.memory_space<hbm>>) target(%arg14 : memref<128xi32, #tpu.memory_space<vmem>>) target_semaphore(%arg24 : memref<!tpu.dma_semaphore, #tpu.memory_space<semaphore_mem>>)
    %add3A_14 = arith.constant 128 : i32
    %add3A_15 = arith.addi %mul3A_6, %add3A_14 : i32
    %dma_start3A_16 = tpu.memref_slice %arg3[%add3A_15] : memref<327680xi32, #tpu.memory_space<hbm>> -> memref<128xi32, #tpu.memory_space<hbm>>
    %dma_start3A_17 = tpu.memref_slice %arg3[%add3A_15] : memref<327680xi32, #tpu.memory_space<hbm>> -> memref<128xi32, #tpu.memory_space<hbm>>
    tpu.enqueue_dma source(%dma_start3A_17 : memref<128xi32, #tpu.memory_space<hbm>>) target(%arg11 : memref<128xi32, #tpu.memory_space<vmem>>) target_semaphore(%arg21 : memref<!tpu.dma_semaphore, #tpu.memory_space<semaphore_mem>>)
    %add3A_18 = arith.constant 128 : i32
    %add3A_19 = arith.addi %mul3A_6, %add3A_18 : i32
    %dma_start3A_20 = tpu.memref_slice %arg4[%add3A_19] : memref<327680xi32, #tpu.memory_space<hbm>> -> memref<128xi32, #tpu.memory_space<hbm>>
    %dma_start3A_21 = tpu.memref_slice %arg4[%add3A_19] : memref<327680xi32, #tpu.memory_space<hbm>> -> memref<128xi32, #tpu.memory_space<hbm>>
    tpu.enqueue_dma source(%dma_start3A_21 : memref<128xi32, #tpu.memory_space<hbm>>) target(%arg15 : memref<128xi32, #tpu.memory_space<vmem>>) target_semaphore(%arg25 : memref<!tpu.dma_semaphore, #tpu.memory_space<semaphore_mem>>)
    %add3A_22 = arith.constant 256 : i32
    %add3A_23 = arith.addi %mul3A_6, %add3A_22 : i32
    %dma_start3A_24 = tpu.memref_slice %arg3[%add3A_23] : memref<327680xi32, #tpu.memory_space<hbm>> -> memref<128xi32, #tpu.memory_space<hbm>>
    %dma_start3A_25 = tpu.memref_slice %arg3[%add3A_23] : memref<327680xi32, #tpu.memory_space<hbm>> -> memref<128xi32, #tpu.memory_space<hbm>>
    tpu.enqueue_dma source(%dma_start3A_25 : memref<128xi32, #tpu.memory_space<hbm>>) target(%arg12 : memref<128xi32, #tpu.memory_space<vmem>>) target_semaphore(%arg22 : memref<!tpu.dma_semaphore, #tpu.memory_space<semaphore_mem>>)
    %add3A_26 = arith.constant 256 : i32
    %add3A_27 = arith.addi %mul3A_6, %add3A_26 : i32
    %dma_start3A_28 = tpu.memref_slice %arg4[%add3A_27] : memref<327680xi32, #tpu.memory_space<hbm>> -> memref<128xi32, #tpu.memory_space<hbm>>
    %dma_start3A_29 = tpu.memref_slice %arg4[%add3A_27] : memref<327680xi32, #tpu.memory_space<hbm>> -> memref<128xi32, #tpu.memory_space<hbm>>
    tpu.enqueue_dma source(%dma_start3A_29 : memref<128xi32, #tpu.memory_space<hbm>>) target(%arg16 : memref<128xi32, #tpu.memory_space<vmem>>) target_semaphore(%arg26 : memref<!tpu.dma_semaphore, #tpu.memory_space<semaphore_mem>>)
    %add3A_30 = arith.constant 384 : i32
    %add3A_31 = arith.addi %mul3A_6, %add3A_30 : i32
    %dma_start3A_32 = tpu.memref_slice %arg3[%add3A_31] : memref<327680xi32, #tpu.memory_space<hbm>> -> memref<128xi32, #tpu.memory_space<hbm>>
    %dma_start3A_33 = tpu.memref_slice %arg3[%add3A_31] : memref<327680xi32, #tpu.memory_space<hbm>> -> memref<128xi32, #tpu.memory_space<hbm>>
    tpu.enqueue_dma source(%dma_start3A_33 : memref<128xi32, #tpu.memory_space<hbm>>) target(%arg13 : memref<128xi32, #tpu.memory_space<vmem>>) target_semaphore(%arg23 : memref<!tpu.dma_semaphore, #tpu.memory_space<semaphore_mem>>)
    %add3A_34 = arith.constant 384 : i32
    %add3A_35 = arith.addi %mul3A_6, %add3A_34 : i32
    %dma_start3A_36 = tpu.memref_slice %arg4[%add3A_35] : memref<327680xi32, #tpu.memory_space<hbm>> -> memref<128xi32, #tpu.memory_space<hbm>>
    %dma_start3A_37 = tpu.memref_slice %arg4[%add3A_35] : memref<327680xi32, #tpu.memory_space<hbm>> -> memref<128xi32, #tpu.memory_space<hbm>>
    tpu.enqueue_dma source(%dma_start3A_37 : memref<128xi32, #tpu.memory_space<hbm>>) target(%arg17 : memref<128xi32, #tpu.memory_space<vmem>>) target_semaphore(%arg27 : memref<!tpu.dma_semaphore, #tpu.memory_space<semaphore_mem>>)
    %dma_wait3A = tpu.memref_slice %arg3[%mul3A_6] : memref<327680xi32, #tpu.memory_space<hbm>> -> memref<128xi32, #tpu.memory_space<hbm>>
    %dma_wait3A_38 = tpu.memref_slice %arg3[%mul3A_6] : memref<327680xi32, #tpu.memory_space<hbm>> -> memref<128xi32, #tpu.memory_space<hbm>>
    tpu.wait_dma2 semaphore(%arg20 : memref<!tpu.dma_semaphore, #tpu.memory_space<semaphore_mem>>) src(%dma_wait3A_38 : memref<128xi32, #tpu.memory_space<hbm>>) dst(%arg10 : memref<128xi32, #tpu.memory_space<vmem>>)
    %dma_start3A_39 = arith.constant 0 : i32
    %dma_start3A_40 = arith.constant 0 : i32
    %dma_start3A_41 = tpu.memref_slice %arg2[%dma_start3A_39, %dma_start3A_40] : memref<10000x128xf32, #tpu.memory_space<hbm>> -> memref<10000x128xf32, #tpu.memory_space<hbm>>
    tpu.enqueue_indirect_dma source(%dma_start3A_41 : memref<10000x128xf32, #tpu.memory_space<hbm>>) target(%arg8 : memref<128x128xf32, #tpu.memory_space<vmem>>) offsets(%arg10 : memref<128xi32, #tpu.memory_space<vmem>>) semaphore(%arg18 : memref<!tpu.dma_semaphore, #tpu.memory_space<semaphore_mem>>)
    %scan3A = arith.constant 0 : i32
    %scan3A_42 = arith.constant 0 : i32
    %scan3A_43 = arith.constant 20 : i32
    %scan3A_44 = arith.addi %scan3A_42, %scan3A_43 : i32
    %scan3A_45 = arith.constant 1 : i32
    %scan3A_46 = scf.for %scan3A_55 = %scan3A_42 to %scan3A_44 step %scan3A_45 iter_args(%scan3A_56 = %scan3A) -> (i32)  : i32 {
      %mul3A_57 = arith.constant 4 : i32
      %mul3A_58 = arith.muli %scan3A_55, %mul3A_57 : i32
      %add3A_59 = arith.constant 0 : i32
      %add3A_60 = arith.addi %mul3A_58, %add3A_59 : i32
      %dma_wait3A_61 = arith.constant 0 : i32
      %dma_wait3A_62 = arith.constant 0 : i32
      %dma_wait3A_63 = tpu.memref_slice %arg2[%dma_wait3A_61, %dma_wait3A_62] : memref<10000x128xf32, #tpu.memory_space<hbm>> -> memref<10000x128xf32, #tpu.memory_space<hbm>>
      tpu.wait_indirect_dma semaphore(%arg18 : memref<!tpu.dma_semaphore, #tpu.memory_space<semaphore_mem>>) src(%dma_wait3A_63 : memref<10000x128xf32, #tpu.memory_space<hbm>>) dst(%arg8 : memref<128x128xf32, #tpu.memory_space<vmem>>)
      %mul3A_64 = arith.constant 128 : i32
      %mul3A_65 = arith.muli %add3A_60, %mul3A_64 : i32
      %add3A_66 = arith.addi %mul3A_6, %mul3A_65 : i32
      %dma_wait3A_67 = tpu.memref_slice %arg4[%add3A_66] : memref<327680xi32, #tpu.memory_space<hbm>> -> memref<128xi32, #tpu.memory_space<hbm>>
      %dma_wait3A_68 = tpu.memref_slice %arg4[%add3A_66] : memref<327680xi32, #tpu.memory_space<hbm>> -> memref<128xi32, #tpu.memory_space<hbm>>
      tpu.wait_dma2 semaphore(%arg24 : memref<!tpu.dma_semaphore, #tpu.memory_space<semaphore_mem>>) src(%dma_wait3A_68 : memref<128xi32, #tpu.memory_space<hbm>>) dst(%arg14 : memref<128xi32, #tpu.memory_space<vmem>>)
      %dma_start3A_69 = arith.constant 0 : i32
      %dma_start3A_70 = arith.constant 0 : i32
      %dma_start3A_71 = tpu.memref_slice %arg7[%dma_start3A_69, %dma_start3A_70] : memref<10240x128xf32, #tpu.memory_space<vmem_shared>> -> memref<10240x128xf32, #tpu.memory_space<vmem_shared>>
      tpu.enqueue_indirect_dma source(%arg8 : memref<128x128xf32, #tpu.memory_space<vmem>>) target(%dma_start3A_71 : memref<10240x128xf32, #tpu.memory_space<vmem_shared>>) offsets(%arg14 : memref<128xi32, #tpu.memory_space<vmem>>) semaphore(%arg28 : memref<!tpu.dma_semaphore, #tpu.memory_space<semaphore_mem>>) {add = true}
      %add3A_72 = arith.constant 1 : i32
      %add3A_73 = arith.addi %add3A_60, %add3A_72 : i32
      %lt3A = arith.constant 80 : i32
      %lt3A_74 = arith.cmpi slt, %add3A_73, %lt3A : i32
      %convert_element_type3A = arith.extui %lt3A_74 : i1 to i32
      %cond3A = arith.constant 0 : i32
      %cond3A_75 = arith.cmpi ne, %convert_element_type3A, %cond3A : i32
      scf.if %cond3A_75 {
        %ge3A = arith.constant 1 : i32
        %ge3A_171 = arith.cmpi sge, %add3A_60, %ge3A : i32
        %convert_element_type3A_172 = arith.extui %ge3A_171 : i1 to i32
        %cond3A_173 = arith.constant 0 : i32
        %cond3A_174 = arith.cmpi ne, %convert_element_type3A_172, %cond3A_173 : i32
        scf.if %cond3A_174 {
          %dma_wait3A_194 = arith.constant 0 : i32
          %dma_wait3A_195 = arith.constant 0 : i32
          %dma_wait3A_196 = tpu.memref_slice %arg7[%dma_wait3A_194, %dma_wait3A_195] : memref<10240x128xf32, #tpu.memory_space<vmem_shared>> -> memref<10240x128xf32, #tpu.memory_space<vmem_shared>>
          tpu.wait_indirect_dma semaphore(%arg29 : memref<!tpu.dma_semaphore, #tpu.memory_space<semaphore_mem>>) src(%arg9 : memref<128x128xf32, #tpu.memory_space<vmem>>) dst(%dma_wait3A_196 : memref<10240x128xf32, #tpu.memory_space<vmem_shared>>)
        } else {
        }
        %add3A_175 = arith.constant 1 : i32
        %add3A_176 = arith.addi %add3A_60, %add3A_175 : i32
        %mul3A_177 = arith.constant 128 : i32
        %mul3A_178 = arith.muli %add3A_176, %mul3A_177 : i32
        %add3A_179 = arith.addi %mul3A_6, %mul3A_178 : i32
        %dma_wait3A_180 = tpu.memref_slice %arg3[%add3A_179] : memref<327680xi32, #tpu.memory_space<hbm>> -> memref<128xi32, #tpu.memory_space<hbm>>
        %dma_wait3A_181 = tpu.memref_slice %arg3[%add3A_179] : memref<327680xi32, #tpu.memory_space<hbm>> -> memref<128xi32, #tpu.memory_space<hbm>>
        tpu.wait_dma2 semaphore(%arg21 : memref<!tpu.dma_semaphore, #tpu.memory_space<semaphore_mem>>) src(%dma_wait3A_181 : memref<128xi32, #tpu.memory_space<hbm>>) dst(%arg11 : memref<128xi32, #tpu.memory_space<vmem>>)
        %dma_start3A_182 = arith.constant 0 : i32
        %dma_start3A_183 = arith.constant 0 : i32
        %dma_start3A_184 = tpu.memref_slice %arg2[%dma_start3A_182, %dma_start3A_183] : memref<10000x128xf32, #tpu.memory_space<hbm>> -> memref<10000x128xf32, #tpu.memory_space<hbm>>
        tpu.enqueue_indirect_dma source(%dma_start3A_184 : memref<10000x128xf32, #tpu.memory_space<hbm>>) target(%arg9 : memref<128x128xf32, #tpu.memory_space<vmem>>) offsets(%arg11 : memref<128xi32, #tpu.memory_space<vmem>>) semaphore(%arg19 : memref<!tpu.dma_semaphore, #tpu.memory_space<semaphore_mem>>)
        %ge3A_185 = arith.constant 1 : i32
        %ge3A_186 = arith.cmpi sge, %add3A_60, %ge3A_185 : i32
        %add3A_187 = arith.constant 3 : i32
        %add3A_188 = arith.addi %add3A_60, %add3A_187 : i32
        %lt3A_189 = arith.constant 80 : i32
        %lt3A_190 = arith.cmpi slt, %add3A_188, %lt3A_189 : i32
        %and3A = arith.andi %ge3A_186, %lt3A_190 : i1
        %convert_element_type3A_191 = arith.extui %and3A : i1 to i32
        %cond3A_192 = arith.constant 0 : i32
        %cond3A_193 = arith.cmpi ne, %convert_element_type3A_191, %cond3A_192 : i32
        scf.if %cond3A_193 {
          %add3A_194 = arith.constant 3 : i32
          %add3A_195 = arith.addi %add3A_60, %add3A_194 : i32
          %mul3A_196 = arith.constant 128 : i32
          %mul3A_197 = arith.muli %add3A_195, %mul3A_196 : i32
          %add3A_198 = arith.addi %mul3A_6, %mul3A_197 : i32
          %dma_start3A_199 = tpu.memref_slice %arg4[%add3A_198] : memref<327680xi32, #tpu.memory_space<hbm>> -> memref<128xi32, #tpu.memory_space<hbm>>
          %dma_start3A_200 = tpu.memref_slice %arg4[%add3A_198] : memref<327680xi32, #tpu.memory_space<hbm>> -> memref<128xi32, #tpu.memory_space<hbm>>
          tpu.enqueue_dma source(%dma_start3A_200 : memref<128xi32, #tpu.memory_space<hbm>>) target(%arg17 : memref<128xi32, #tpu.memory_space<vmem>>) target_semaphore(%arg27 : memref<!tpu.dma_semaphore, #tpu.memory_space<semaphore_mem>>)
        } else {
        }
      } else {
      }
      %add3A_76 = arith.constant 4 : i32
      %add3A_77 = arith.addi %add3A_60, %add3A_76 : i32
      %lt3A_78 = arith.constant 80 : i32
      %lt3A_79 = arith.cmpi slt, %add3A_77, %lt3A_78 : i32
      %convert_element_type3A_80 = arith.extui %lt3A_79 : i1 to i32
      %cond3A_81 = arith.constant 0 : i32
      %cond3A_82 = arith.cmpi ne, %convert_element_type3A_80, %cond3A_81 : i32
      scf.if %cond3A_82 {
        %add3A_171 = arith.constant 4 : i32
        %add3A_172 = arith.addi %add3A_60, %add3A_171 : i32
        %mul3A_173 = arith.constant 128 : i32
        %mul3A_174 = arith.muli %add3A_172, %mul3A_173 : i32
        %add3A_175 = arith.addi %mul3A_6, %mul3A_174 : i32
        %dma_start3A_176 = tpu.memref_slice %arg3[%add3A_175] : memref<327680xi32, #tpu.memory_space<hbm>> -> memref<128xi32, #tpu.memory_space<hbm>>
        %dma_start3A_177 = tpu.memref_slice %arg3[%add3A_175] : memref<327680xi32, #tpu.memory_space<hbm>> -> memref<128xi32, #tpu.memory_space<hbm>>
        tpu.enqueue_dma source(%dma_start3A_177 : memref<128xi32, #tpu.memory_space<hbm>>) target(%arg10 : memref<128xi32, #tpu.memory_space<vmem>>) target_semaphore(%arg20 : memref<!tpu.dma_semaphore, #tpu.memory_space<semaphore_mem>>)
      } else {
      }
      %mul3A_83 = arith.constant 4 : i32
      %mul3A_84 = arith.muli %scan3A_55, %mul3A_83 : i32
      %add3A_85 = arith.constant 1 : i32
      %add3A_86 = arith.addi %mul3A_84, %add3A_85 : i32
      %dma_wait3A_87 = arith.constant 0 : i32
      %dma_wait3A_88 = arith.constant 0 : i32
      %dma_wait3A_89 = tpu.memref_slice %arg2[%dma_wait3A_87, %dma_wait3A_88] : memref<10000x128xf32, #tpu.memory_space<hbm>> -> memref<10000x128xf32, #tpu.memory_space<hbm>>
      tpu.wait_indirect_dma semaphore(%arg19 : memref<!tpu.dma_semaphore, #tpu.memory_space<semaphore_mem>>) src(%dma_wait3A_89 : memref<10000x128xf32, #tpu.memory_space<hbm>>) dst(%arg9 : memref<128x128xf32, #tpu.memory_space<vmem>>)
      %mul3A_90 = arith.constant 128 : i32
      %mul3A_91 = arith.muli %add3A_86, %mul3A_90 : i32
      %add3A_92 = arith.addi %mul3A_6, %mul3A_91 : i32
      %dma_wait3A_93 = tpu.memref_slice %arg4[%add3A_92] : memref<327680xi32, #tpu.memory_space<hbm>> -> memref<128xi32, #tpu.memory_space<hbm>>
      %dma_wait3A_94 = tpu.memref_slice %arg4[%add3A_92] : memref<327680xi32, #tpu.memory_space<hbm>> -> memref<128xi32, #tpu.memory_space<hbm>>
      tpu.wait_dma2 semaphore(%arg25 : memref<!tpu.dma_semaphore, #tpu.memory_space<semaphore_mem>>) src(%dma_wait3A_94 : memref<128xi32, #tpu.memory_space<hbm>>) dst(%arg15 : memref<128xi32, #tpu.memory_space<vmem>>)
      %dma_start3A_95 = arith.constant 0 : i32
      %dma_start3A_96 = arith.constant 0 : i32
      %dma_start3A_97 = tpu.memref_slice %arg7[%dma_start3A_95, %dma_start3A_96] : memref<10240x128xf32, #tpu.memory_space<vmem_shared>> -> memref<10240x128xf32, #tpu.memory_space<vmem_shared>>
      tpu.enqueue_indirect_dma source(%arg9 : memref<128x128xf32, #tpu.memory_space<vmem>>) target(%dma_start3A_97 : memref<10240x128xf32, #tpu.memory_space<vmem_shared>>) offsets(%arg15 : memref<128xi32, #tpu.memory_space<vmem>>) semaphore(%arg29 : memref<!tpu.dma_semaphore, #tpu.memory_space<semaphore_mem>>) {add = true}
      %add3A_98 = arith.constant 1 : i32
      %add3A_99 = arith.addi %add3A_86, %add3A_98 : i32
      %lt3A_100 = arith.constant 80 : i32
      %lt3A_101 = arith.cmpi slt, %add3A_99, %lt3A_100 : i32
      %convert_element_type3A_102 = arith.extui %lt3A_101 : i1 to i32
      %cond3A_103 = arith.constant 0 : i32
      %cond3A_104 = arith.cmpi ne, %convert_element_type3A_102, %cond3A_103 : i32
      scf.if %cond3A_104 {
        %ge3A = arith.constant 1 : i32
        %ge3A_171 = arith.cmpi sge, %add3A_86, %ge3A : i32
        %convert_element_type3A_172 = arith.extui %ge3A_171 : i1 to i32
        %cond3A_173 = arith.constant 0 : i32
        %cond3A_174 = arith.cmpi ne, %convert_element_type3A_172, %cond3A_173 : i32
        scf.if %cond3A_174 {
          %dma_wait3A_194 = arith.constant 0 : i32
          %dma_wait3A_195 = arith.constant 0 : i32
          %dma_wait3A_196 = tpu.memref_slice %arg7[%dma_wait3A_194, %dma_wait3A_195] : memref<10240x128xf32, #tpu.memory_space<vmem_shared>> -> memref<10240x128xf32, #tpu.memory_space<vmem_shared>>
          tpu.wait_indirect_dma semaphore(%arg28 : memref<!tpu.dma_semaphore, #tpu.memory_space<semaphore_mem>>) src(%arg8 : memref<128x128xf32, #tpu.memory_space<vmem>>) dst(%dma_wait3A_196 : memref<10240x128xf32, #tpu.memory_space<vmem_shared>>)
        } else {
        }
        %add3A_175 = arith.constant 1 : i32
        %add3A_176 = arith.addi %add3A_86, %add3A_175 : i32
        %mul3A_177 = arith.constant 128 : i32
        %mul3A_178 = arith.muli %add3A_176, %mul3A_177 : i32
        %add3A_179 = arith.addi %mul3A_6, %mul3A_178 : i32
        %dma_wait3A_180 = tpu.memref_slice %arg3[%add3A_179] : memref<327680xi32, #tpu.memory_space<hbm>> -> memref<128xi32, #tpu.memory_space<hbm>>
        %dma_wait3A_181 = tpu.memref_slice %arg3[%add3A_179] : memref<327680xi32, #tpu.memory_space<hbm>> -> memref<128xi32, #tpu.memory_space<hbm>>
        tpu.wait_dma2 semaphore(%arg22 : memref<!tpu.dma_semaphore, #tpu.memory_space<semaphore_mem>>) src(%dma_wait3A_181 : memref<128xi32, #tpu.memory_space<hbm>>) dst(%arg12 : memref<128xi32, #tpu.memory_space<vmem>>)
        %dma_start3A_182 = arith.constant 0 : i32
        %dma_start3A_183 = arith.constant 0 : i32
        %dma_start3A_184 = tpu.memref_slice %arg2[%dma_start3A_182, %dma_start3A_183] : memref<10000x128xf32, #tpu.memory_space<hbm>> -> memref<10000x128xf32, #tpu.memory_space<hbm>>
        tpu.enqueue_indirect_dma source(%dma_start3A_184 : memref<10000x128xf32, #tpu.memory_space<hbm>>) target(%arg8 : memref<128x128xf32, #tpu.memory_space<vmem>>) offsets(%arg12 : memref<128xi32, #tpu.memory_space<vmem>>) semaphore(%arg18 : memref<!tpu.dma_semaphore, #tpu.memory_space<semaphore_mem>>)
        %ge3A_185 = arith.constant 1 : i32
        %ge3A_186 = arith.cmpi sge, %add3A_86, %ge3A_185 : i32
        %add3A_187 = arith.constant 3 : i32
        %add3A_188 = arith.addi %add3A_86, %add3A_187 : i32
        %lt3A_189 = arith.constant 80 : i32
        %lt3A_190 = arith.cmpi slt, %add3A_188, %lt3A_189 : i32
        %and3A = arith.andi %ge3A_186, %lt3A_190 : i1
        %convert_element_type3A_191 = arith.extui %and3A : i1 to i32
        %cond3A_192 = arith.constant 0 : i32
        %cond3A_193 = arith.cmpi ne, %convert_element_type3A_191, %cond3A_192 : i32
        scf.if %cond3A_193 {
          %add3A_194 = arith.constant 3 : i32
          %add3A_195 = arith.addi %add3A_86, %add3A_194 : i32
          %mul3A_196 = arith.constant 128 : i32
          %mul3A_197 = arith.muli %add3A_195, %mul3A_196 : i32
          %add3A_198 = arith.addi %mul3A_6, %mul3A_197 : i32
          %dma_start3A_199 = tpu.memref_slice %arg4[%add3A_198] : memref<327680xi32, #tpu.memory_space<hbm>> -> memref<128xi32, #tpu.memory_space<hbm>>
          %dma_start3A_200 = tpu.memref_slice %arg4[%add3A_198] : memref<327680xi32, #tpu.memory_space<hbm>> -> memref<128xi32, #tpu.memory_space<hbm>>
          tpu.enqueue_dma source(%dma_start3A_200 : memref<128xi32, #tpu.memory_space<hbm>>) target(%arg14 : memref<128xi32, #tpu.memory_space<vmem>>) target_semaphore(%arg24 : memref<!tpu.dma_semaphore, #tpu.memory_space<semaphore_mem>>)
        } else {
        }
      } else {
      }
      %add3A_105 = arith.constant 4 : i32
      %add3A_106 = arith.addi %add3A_86, %add3A_105 : i32
      %lt3A_107 = arith.constant 80 : i32
      %lt3A_108 = arith.cmpi slt, %add3A_106, %lt3A_107 : i32
      %convert_element_type3A_109 = arith.extui %lt3A_108 : i1 to i32
      %cond3A_110 = arith.constant 0 : i32
      %cond3A_111 = arith.cmpi ne, %convert_element_type3A_109, %cond3A_110 : i32
      scf.if %cond3A_111 {
        %add3A_171 = arith.constant 4 : i32
        %add3A_172 = arith.addi %add3A_86, %add3A_171 : i32
        %mul3A_173 = arith.constant 128 : i32
        %mul3A_174 = arith.muli %add3A_172, %mul3A_173 : i32
        %add3A_175 = arith.addi %mul3A_6, %mul3A_174 : i32
        %dma_start3A_176 = tpu.memref_slice %arg3[%add3A_175] : memref<327680xi32, #tpu.memory_space<hbm>> -> memref<128xi32, #tpu.memory_space<hbm>>
        %dma_start3A_177 = tpu.memref_slice %arg3[%add3A_175] : memref<327680xi32, #tpu.memory_space<hbm>> -> memref<128xi32, #tpu.memory_space<hbm>>
        tpu.enqueue_dma source(%dma_start3A_177 : memref<128xi32, #tpu.memory_space<hbm>>) target(%arg11 : memref<128xi32, #tpu.memory_space<vmem>>) target_semaphore(%arg21 : memref<!tpu.dma_semaphore, #tpu.memory_space<semaphore_mem>>)
      } else {
      }
      %mul3A_112 = arith.constant 4 : i32
      %mul3A_113 = arith.muli %scan3A_55, %mul3A_112 : i32
      %add3A_114 = arith.constant 2 : i32
      %add3A_115 = arith.addi %mul3A_113, %add3A_114 : i32
      %dma_wait3A_116 = arith.constant 0 : i32
      %dma_wait3A_117 = arith.constant 0 : i32
      %dma_wait3A_118 = tpu.memref_slice %arg2[%dma_wait3A_116, %dma_wait3A_117] : memref<10000x128xf32, #tpu.memory_space<hbm>> -> memref<10000x128xf32, #tpu.memory_space<hbm>>
      tpu.wait_indirect_dma semaphore(%arg18 : memref<!tpu.dma_semaphore, #tpu.memory_space<semaphore_mem>>) src(%dma_wait3A_118 : memref<10000x128xf32, #tpu.memory_space<hbm>>) dst(%arg8 : memref<128x128xf32, #tpu.memory_space<vmem>>)
      %mul3A_119 = arith.constant 128 : i32
      %mul3A_120 = arith.muli %add3A_115, %mul3A_119 : i32
      %add3A_121 = arith.addi %mul3A_6, %mul3A_120 : i32
      %dma_wait3A_122 = tpu.memref_slice %arg4[%add3A_121] : memref<327680xi32, #tpu.memory_space<hbm>> -> memref<128xi32, #tpu.memory_space<hbm>>
      %dma_wait3A_123 = tpu.memref_slice %arg4[%add3A_121] : memref<327680xi32, #tpu.memory_space<hbm>> -> memref<128xi32, #tpu.memory_space<hbm>>
      tpu.wait_dma2 semaphore(%arg26 : memref<!tpu.dma_semaphore, #tpu.memory_space<semaphore_mem>>) src(%dma_wait3A_123 : memref<128xi32, #tpu.memory_space<hbm>>) dst(%arg16 : memref<128xi32, #tpu.memory_space<vmem>>)
      %dma_start3A_124 = arith.constant 0 : i32
      %dma_start3A_125 = arith.constant 0 : i32
      %dma_start3A_126 = tpu.memref_slice %arg7[%dma_start3A_124, %dma_start3A_125] : memref<10240x128xf32, #tpu.memory_space<vmem_shared>> -> memref<10240x128xf32, #tpu.memory_space<vmem_shared>>
      tpu.enqueue_indirect_dma source(%arg8 : memref<128x128xf32, #tpu.memory_space<vmem>>) target(%dma_start3A_126 : memref<10240x128xf32, #tpu.memory_space<vmem_shared>>) offsets(%arg16 : memref<128xi32, #tpu.memory_space<vmem>>) semaphore(%arg28 : memref<!tpu.dma_semaphore, #tpu.memory_space<semaphore_mem>>) {add = true}
      %add3A_127 = arith.constant 1 : i32
      %add3A_128 = arith.addi %add3A_115, %add3A_127 : i32
      %lt3A_129 = arith.constant 80 : i32
      %lt3A_130 = arith.cmpi slt, %add3A_128, %lt3A_129 : i32
      %convert_element_type3A_131 = arith.extui %lt3A_130 : i1 to i32
      %cond3A_132 = arith.constant 0 : i32
      %cond3A_133 = arith.cmpi ne, %convert_element_type3A_131, %cond3A_132 : i32
      scf.if %cond3A_133 {
        %ge3A = arith.constant 1 : i32
        %ge3A_171 = arith.cmpi sge, %add3A_115, %ge3A : i32
        %convert_element_type3A_172 = arith.extui %ge3A_171 : i1 to i32
        %cond3A_173 = arith.constant 0 : i32
        %cond3A_174 = arith.cmpi ne, %convert_element_type3A_172, %cond3A_173 : i32
        scf.if %cond3A_174 {
          %dma_wait3A_194 = arith.constant 0 : i32
          %dma_wait3A_195 = arith.constant 0 : i32
          %dma_wait3A_196 = tpu.memref_slice %arg7[%dma_wait3A_194, %dma_wait3A_195] : memref<10240x128xf32, #tpu.memory_space<vmem_shared>> -> memref<10240x128xf32, #tpu.memory_space<vmem_shared>>
          tpu.wait_indirect_dma semaphore(%arg29 : memref<!tpu.dma_semaphore, #tpu.memory_space<semaphore_mem>>) src(%arg9 : memref<128x128xf32, #tpu.memory_space<vmem>>) dst(%dma_wait3A_196 : memref<10240x128xf32, #tpu.memory_space<vmem_shared>>)
        } else {
        }
        %add3A_175 = arith.constant 1 : i32
        %add3A_176 = arith.addi %add3A_115, %add3A_175 : i32
        %mul3A_177 = arith.constant 128 : i32
        %mul3A_178 = arith.muli %add3A_176, %mul3A_177 : i32
        %add3A_179 = arith.addi %mul3A_6, %mul3A_178 : i32
        %dma_wait3A_180 = tpu.memref_slice %arg3[%add3A_179] : memref<327680xi32, #tpu.memory_space<hbm>> -> memref<128xi32, #tpu.memory_space<hbm>>
        %dma_wait3A_181 = tpu.memref_slice %arg3[%add3A_179] : memref<327680xi32, #tpu.memory_space<hbm>> -> memref<128xi32, #tpu.memory_space<hbm>>
        tpu.wait_dma2 semaphore(%arg23 : memref<!tpu.dma_semaphore, #tpu.memory_space<semaphore_mem>>) src(%dma_wait3A_181 : memref<128xi32, #tpu.memory_space<hbm>>) dst(%arg13 : memref<128xi32, #tpu.memory_space<vmem>>)
        %dma_start3A_182 = arith.constant 0 : i32
        %dma_start3A_183 = arith.constant 0 : i32
        %dma_start3A_184 = tpu.memref_slice %arg2[%dma_start3A_182, %dma_start3A_183] : memref<10000x128xf32, #tpu.memory_space<hbm>> -> memref<10000x128xf32, #tpu.memory_space<hbm>>
        tpu.enqueue_indirect_dma source(%dma_start3A_184 : memref<10000x128xf32, #tpu.memory_space<hbm>>) target(%arg9 : memref<128x128xf32, #tpu.memory_space<vmem>>) offsets(%arg13 : memref<128xi32, #tpu.memory_space<vmem>>) semaphore(%arg19 : memref<!tpu.dma_semaphore, #tpu.memory_space<semaphore_mem>>)
        %ge3A_185 = arith.constant 1 : i32
        %ge3A_186 = arith.cmpi sge, %add3A_115, %ge3A_185 : i32
        %add3A_187 = arith.constant 3 : i32
        %add3A_188 = arith.addi %add3A_115, %add3A_187 : i32
        %lt3A_189 = arith.constant 80 : i32
        %lt3A_190 = arith.cmpi slt, %add3A_188, %lt3A_189 : i32
        %and3A = arith.andi %ge3A_186, %lt3A_190 : i1
        %convert_element_type3A_191 = arith.extui %and3A : i1 to i32
        %cond3A_192 = arith.constant 0 : i32
        %cond3A_193 = arith.cmpi ne, %convert_element_type3A_191, %cond3A_192 : i32
        scf.if %cond3A_193 {
          %add3A_194 = arith.constant 3 : i32
          %add3A_195 = arith.addi %add3A_115, %add3A_194 : i32
          %mul3A_196 = arith.constant 128 : i32
          %mul3A_197 = arith.muli %add3A_195, %mul3A_196 : i32
          %add3A_198 = arith.addi %mul3A_6, %mul3A_197 : i32
          %dma_start3A_199 = tpu.memref_slice %arg4[%add3A_198] : memref<327680xi32, #tpu.memory_space<hbm>> -> memref<128xi32, #tpu.memory_space<hbm>>
          %dma_start3A_200 = tpu.memref_slice %arg4[%add3A_198] : memref<327680xi32, #tpu.memory_space<hbm>> -> memref<128xi32, #tpu.memory_space<hbm>>
          tpu.enqueue_dma source(%dma_start3A_200 : memref<128xi32, #tpu.memory_space<hbm>>) target(%arg15 : memref<128xi32, #tpu.memory_space<vmem>>) target_semaphore(%arg25 : memref<!tpu.dma_semaphore, #tpu.memory_space<semaphore_mem>>)
        } else {
        }
      } else {
      }
      %add3A_134 = arith.constant 4 : i32
      %add3A_135 = arith.addi %add3A_115, %add3A_134 : i32
      %lt3A_136 = arith.constant 80 : i32
      %lt3A_137 = arith.cmpi slt, %add3A_135, %lt3A_136 : i32
      %convert_element_type3A_138 = arith.extui %lt3A_137 : i1 to i32
      %cond3A_139 = arith.constant 0 : i32
      %cond3A_140 = arith.cmpi ne, %convert_element_type3A_138, %cond3A_139 : i32
      scf.if %cond3A_140 {
        %add3A_171 = arith.constant 4 : i32
        %add3A_172 = arith.addi %add3A_115, %add3A_171 : i32
        %mul3A_173 = arith.constant 128 : i32
        %mul3A_174 = arith.muli %add3A_172, %mul3A_173 : i32
        %add3A_175 = arith.addi %mul3A_6, %mul3A_174 : i32
        %dma_start3A_176 = tpu.memref_slice %arg3[%add3A_175] : memref<327680xi32, #tpu.memory_space<hbm>> -> memref<128xi32, #tpu.memory_space<hbm>>
        %dma_start3A_177 = tpu.memref_slice %arg3[%add3A_175] : memref<327680xi32, #tpu.memory_space<hbm>> -> memref<128xi32, #tpu.memory_space<hbm>>
        tpu.enqueue_dma source(%dma_start3A_177 : memref<128xi32, #tpu.memory_space<hbm>>) target(%arg12 : memref<128xi32, #tpu.memory_space<vmem>>) target_semaphore(%arg22 : memref<!tpu.dma_semaphore, #tpu.memory_space<semaphore_mem>>)
      } else {
      }
      %mul3A_141 = arith.constant 4 : i32
      %mul3A_142 = arith.muli %scan3A_55, %mul3A_141 : i32
      %add3A_143 = arith.constant 3 : i32
      %add3A_144 = arith.addi %mul3A_142, %add3A_143 : i32
      %dma_wait3A_145 = arith.constant 0 : i32
      %dma_wait3A_146 = arith.constant 0 : i32
      %dma_wait3A_147 = tpu.memref_slice %arg2[%dma_wait3A_145, %dma_wait3A_146] : memref<10000x128xf32, #tpu.memory_space<hbm>> -> memref<10000x128xf32, #tpu.memory_space<hbm>>
      tpu.wait_indirect_dma semaphore(%arg19 : memref<!tpu.dma_semaphore, #tpu.memory_space<semaphore_mem>>) src(%dma_wait3A_147 : memref<10000x128xf32, #tpu.memory_space<hbm>>) dst(%arg9 : memref<128x128xf32, #tpu.memory_space<vmem>>)
      %mul3A_148 = arith.constant 128 : i32
      %mul3A_149 = arith.muli %add3A_144, %mul3A_148 : i32
      %add3A_150 = arith.addi %mul3A_6, %mul3A_149 : i32
      %dma_wait3A_151 = tpu.memref_slice %arg4[%add3A_150] : memref<327680xi32, #tpu.memory_space<hbm>> -> memref<128xi32, #tpu.memory_space<hbm>>
      %dma_wait3A_152 = tpu.memref_slice %arg4[%add3A_150] : memref<327680xi32, #tpu.memory_space<hbm>> -> memref<128xi32, #tpu.memory_space<hbm>>
      tpu.wait_dma2 semaphore(%arg27 : memref<!tpu.dma_semaphore, #tpu.memory_space<semaphore_mem>>) src(%dma_wait3A_152 : memref<128xi32, #tpu.memory_space<hbm>>) dst(%arg17 : memref<128xi32, #tpu.memory_space<vmem>>)
      %dma_start3A_153 = arith.constant 0 : i32
      %dma_start3A_154 = arith.constant 0 : i32
      %dma_start3A_155 = tpu.memref_slice %arg7[%dma_start3A_153, %dma_start3A_154] : memref<10240x128xf32, #tpu.memory_space<vmem_shared>> -> memref<10240x128xf32, #tpu.memory_space<vmem_shared>>
      tpu.enqueue_indirect_dma source(%arg9 : memref<128x128xf32, #tpu.memory_space<vmem>>) target(%dma_start3A_155 : memref<10240x128xf32, #tpu.memory_space<vmem_shared>>) offsets(%arg17 : memref<128xi32, #tpu.memory_space<vmem>>) semaphore(%arg29 : memref<!tpu.dma_semaphore, #tpu.memory_space<semaphore_mem>>) {add = true}
      %add3A_156 = arith.constant 1 : i32
      %add3A_157 = arith.addi %add3A_144, %add3A_156 : i32
      %lt3A_158 = arith.constant 80 : i32
      %lt3A_159 = arith.cmpi slt, %add3A_157, %lt3A_158 : i32
      %convert_element_type3A_160 = arith.extui %lt3A_159 : i1 to i32
      %cond3A_161 = arith.constant 0 : i32
      %cond3A_162 = arith.cmpi ne, %convert_element_type3A_160, %cond3A_161 : i32
      scf.if %cond3A_162 {
        %ge3A = arith.constant 1 : i32
        %ge3A_171 = arith.cmpi sge, %add3A_144, %ge3A : i32
        %convert_element_type3A_172 = arith.extui %ge3A_171 : i1 to i32
        %cond3A_173 = arith.constant 0 : i32
        %cond3A_174 = arith.cmpi ne, %convert_element_type3A_172, %cond3A_173 : i32
        scf.if %cond3A_174 {
          %dma_wait3A_194 = arith.constant 0 : i32
          %dma_wait3A_195 = arith.constant 0 : i32
          %dma_wait3A_196 = tpu.memref_slice %arg7[%dma_wait3A_194, %dma_wait3A_195] : memref<10240x128xf32, #tpu.memory_space<vmem_shared>> -> memref<10240x128xf32, #tpu.memory_space<vmem_shared>>
          tpu.wait_indirect_dma semaphore(%arg28 : memref<!tpu.dma_semaphore, #tpu.memory_space<semaphore_mem>>) src(%arg8 : memref<128x128xf32, #tpu.memory_space<vmem>>) dst(%dma_wait3A_196 : memref<10240x128xf32, #tpu.memory_space<vmem_shared>>)
        } else {
        }
        %add3A_175 = arith.constant 1 : i32
        %add3A_176 = arith.addi %add3A_144, %add3A_175 : i32
        %mul3A_177 = arith.constant 128 : i32
        %mul3A_178 = arith.muli %add3A_176, %mul3A_177 : i32
        %add3A_179 = arith.addi %mul3A_6, %mul3A_178 : i32
        %dma_wait3A_180 = tpu.memref_slice %arg3[%add3A_179] : memref<327680xi32, #tpu.memory_space<hbm>> -> memref<128xi32, #tpu.memory_space<hbm>>
        %dma_wait3A_181 = tpu.memref_slice %arg3[%add3A_179] : memref<327680xi32, #tpu.memory_space<hbm>> -> memref<128xi32, #tpu.memory_space<hbm>>
        tpu.wait_dma2 semaphore(%arg20 : memref<!tpu.dma_semaphore, #tpu.memory_space<semaphore_mem>>) src(%dma_wait3A_181 : memref<128xi32, #tpu.memory_space<hbm>>) dst(%arg10 : memref<128xi32, #tpu.memory_space<vmem>>)
        %dma_start3A_182 = arith.constant 0 : i32
        %dma_start3A_183 = arith.constant 0 : i32
        %dma_start3A_184 = tpu.memref_slice %arg2[%dma_start3A_182, %dma_start3A_183] : memref<10000x128xf32, #tpu.memory_space<hbm>> -> memref<10000x128xf32, #tpu.memory_space<hbm>>
        tpu.enqueue_indirect_dma source(%dma_start3A_184 : memref<10000x128xf32, #tpu.memory_space<hbm>>) target(%arg8 : memref<128x128xf32, #tpu.memory_space<vmem>>) offsets(%arg10 : memref<128xi32, #tpu.memory_space<vmem>>) semaphore(%arg18 : memref<!tpu.dma_semaphore, #tpu.memory_space<semaphore_mem>>)
        %ge3A_185 = arith.constant 1 : i32
        %ge3A_186 = arith.cmpi sge, %add3A_144, %ge3A_185 : i32
        %add3A_187 = arith.constant 3 : i32
        %add3A_188 = arith.addi %add3A_144, %add3A_187 : i32
        %lt3A_189 = arith.constant 80 : i32
        %lt3A_190 = arith.cmpi slt, %add3A_188, %lt3A_189 : i32
        %and3A = arith.andi %ge3A_186, %lt3A_190 : i1
        %convert_element_type3A_191 = arith.extui %and3A : i1 to i32
        %cond3A_192 = arith.constant 0 : i32
        %cond3A_193 = arith.cmpi ne, %convert_element_type3A_191, %cond3A_192 : i32
        scf.if %cond3A_193 {
          %add3A_194 = arith.constant 3 : i32
          %add3A_195 = arith.addi %add3A_144, %add3A_194 : i32
          %mul3A_196 = arith.constant 128 : i32
          %mul3A_197 = arith.muli %add3A_195, %mul3A_196 : i32
          %add3A_198 = arith.addi %mul3A_6, %mul3A_197 : i32
          %dma_start3A_199 = tpu.memref_slice %arg4[%add3A_198] : memref<327680xi32, #tpu.memory_space<hbm>> -> memref<128xi32, #tpu.memory_space<hbm>>
          %dma_start3A_200 = tpu.memref_slice %arg4[%add3A_198] : memref<327680xi32, #tpu.memory_space<hbm>> -> memref<128xi32, #tpu.memory_space<hbm>>
          tpu.enqueue_dma source(%dma_start3A_200 : memref<128xi32, #tpu.memory_space<hbm>>) target(%arg16 : memref<128xi32, #tpu.memory_space<vmem>>) target_semaphore(%arg26 : memref<!tpu.dma_semaphore, #tpu.memory_space<semaphore_mem>>)
        } else {
        }
      } else {
      }
      %add3A_163 = arith.constant 4 : i32
      %add3A_164 = arith.addi %add3A_144, %add3A_163 : i32
      %lt3A_165 = arith.constant 80 : i32
      %lt3A_166 = arith.cmpi slt, %add3A_164, %lt3A_165 : i32
      %convert_element_type3A_167 = arith.extui %lt3A_166 : i1 to i32
      %cond3A_168 = arith.constant 0 : i32
      %cond3A_169 = arith.cmpi ne, %convert_element_type3A_167, %cond3A_168 : i32
      scf.if %cond3A_169 {
        %add3A_171 = arith.constant 4 : i32
        %add3A_172 = arith.addi %add3A_144, %add3A_171 : i32
        %mul3A_173 = arith.constant 128 : i32
        %mul3A_174 = arith.muli %add3A_172, %mul3A_173 : i32
        %add3A_175 = arith.addi %mul3A_6, %mul3A_174 : i32
        %dma_start3A_176 = tpu.memref_slice %arg3[%add3A_175] : memref<327680xi32, #tpu.memory_space<hbm>> -> memref<128xi32, #tpu.memory_space<hbm>>
        %dma_start3A_177 = tpu.memref_slice %arg3[%add3A_175] : memref<327680xi32, #tpu.memory_space<hbm>> -> memref<128xi32, #tpu.memory_space<hbm>>
        tpu.enqueue_dma source(%dma_start3A_177 : memref<128xi32, #tpu.memory_space<hbm>>) target(%arg13 : memref<128xi32, #tpu.memory_space<vmem>>) target_semaphore(%arg23 : memref<!tpu.dma_semaphore, #tpu.memory_space<semaphore_mem>>)
      } else {
      }
      %scan3A_170 = arith.constant 0 : i32
      scf.yield %scan3A_170 : i32
    }
    %scan3A_47 = arith.constant 20 : i32
    %dma_wait3A_48 = arith.constant 0 : i32
    %dma_wait3A_49 = arith.constant 0 : i32
    %dma_wait3A_50 = tpu.memref_slice %arg7[%dma_wait3A_48, %dma_wait3A_49] : memref<10240x128xf32, #tpu.memory_space<vmem_shared>> -> memref<10240x128xf32, #tpu.memory_space<vmem_shared>>
    tpu.wait_indirect_dma semaphore(%arg28 : memref<!tpu.dma_semaphore, #tpu.memory_space<semaphore_mem>>) src(%arg8 : memref<128x128xf32, #tpu.memory_space<vmem>>) dst(%dma_wait3A_50 : memref<10240x128xf32, #tpu.memory_space<vmem_shared>>)
    %dma_wait3A_51 = arith.constant 0 : i32
    %dma_wait3A_52 = arith.constant 0 : i32
    %dma_wait3A_53 = tpu.memref_slice %arg7[%dma_wait3A_51, %dma_wait3A_52] : memref<10240x128xf32, #tpu.memory_space<vmem_shared>> -> memref<10240x128xf32, #tpu.memory_space<vmem_shared>>
    tpu.wait_indirect_dma semaphore(%arg29 : memref<!tpu.dma_semaphore, #tpu.memory_space<semaphore_mem>>) src(%arg9 : memref<128x128xf32, #tpu.memory_space<vmem>>) dst(%dma_wait3A_53 : memref<10240x128xf32, #tpu.memory_space<vmem_shared>>)
    %barrier3A_54 = arith.constant 0 : index
    tpu.barrier barrier_id(%barrier3A_54)
    "tpu.region"() ({
      %run_scoped3A = tpu.sem_alloc : memref<!tpu.dma_semaphore, #tpu.memory_space<semaphore_mem>>
      %dma_start3A_55 = arith.constant 0 : i32
      %dma_start3A_56 = tpu.memref_slice %arg6[%arg0, %mul3A_2, %dma_start3A_55] : memref<2x10240x128xf32, #tpu.memory_space<hbm>> -> memref<1x640x128xf32, #tpu.memory_space<hbm>>
      %dma_start3A_57 = tpu.memref_squeeze %dma_start3A_56 : memref<1x640x128xf32, #tpu.memory_space<hbm>> -> memref<640x128xf32, #tpu.memory_space<hbm>>
      %dma_start3A_58 = arith.constant 0 : i32
      %dma_start3A_59 = tpu.memref_slice %arg7[%mul3A_2, %dma_start3A_58] : memref<10240x128xf32, #tpu.memory_space<vmem_shared>> -> memref<640x128xf32, #tpu.memory_space<vmem_shared>>
      tpu.enqueue_dma source(%dma_start3A_59 : memref<640x128xf32, #tpu.memory_space<vmem_shared>>) target(%dma_start3A_57 : memref<640x128xf32, #tpu.memory_space<hbm>>) target_semaphore(%run_scoped3A : memref<!tpu.dma_semaphore, #tpu.memory_space<semaphore_mem>>)
      %dma_wait3A_60 = arith.constant 0 : i32
      %dma_wait3A_61 = tpu.memref_slice %arg6[%arg0, %mul3A_2, %dma_wait3A_60] : memref<2x10240x128xf32, #tpu.memory_space<hbm>> -> memref<1x640x128xf32, #tpu.memory_space<hbm>>
      %dma_wait3A_62 = tpu.memref_squeeze %dma_wait3A_61 : memref<1x640x128xf32, #tpu.memory_space<hbm>> -> memref<640x128xf32, #tpu.memory_space<hbm>>
      %dma_wait3A_63 = arith.constant 0 : i32
      %dma_wait3A_64 = tpu.memref_slice %arg7[%mul3A_2, %dma_wait3A_63] : memref<10240x128xf32, #tpu.memory_space<vmem_shared>> -> memref<640x128xf32, #tpu.memory_space<vmem_shared>>
      tpu.wait_dma2 semaphore(%run_scoped3A : memref<!tpu.dma_semaphore, #tpu.memory_space<semaphore_mem>>) src(%dma_wait3A_64 : memref<640x128xf32, #tpu.memory_space<vmem_shared>>) dst(%dma_wait3A_62 : memref<640x128xf32, #tpu.memory_space<hbm>>)
      tpu.yield
    }) : () -> ()
    return
  }
}

module attributes {stable_mosaic.version = 14 : i64} {
  func.func @_dense_body(%arg0: i32, %arg1: memref<2x2000x128xf32, #tpu.memory_space<vmem>>, %arg2: memref<128x128xf32, #tpu.memory_space<vmem>>, %arg3: memref<1x128xf32, #tpu.memory_space<vmem>>, %arg4: memref<1x1xf32, #tpu.memory_space<smem>>, %arg5: memref<2000x128xf32, #tpu.memory_space<vmem>>) attributes {dimension_semantics = [#tpu.dimension_semantics<arbitrary>], iteration_bounds = array<i64: 5>, scalar_prefetch = 0 : i64, scratch_operands = 0 : i64, tpu.core_type = #tpu.core_type<tc>, window_params = [{transform_indices = @transform_0, window_bounds = array<i64: 2, 2000, 128>}, {pipeline_mode = #tpu.pipeline_mode<synchronous>, transform_indices = @transform_1, window_bounds = array<i64: 128, 128>}, {pipeline_mode = #tpu.pipeline_mode<synchronous>, transform_indices = @transform_2, window_bounds = array<i64: 1, 128>}, {transform_indices = @transform_3, window_bounds = array<i64: 1, 1>}, {transform_indices = @transform_4, window_bounds = array<i64: 2000, 128>}]} {
    %get3A = arith.constant 0 : index
    %get3A_0 = arith.constant 0 : index
    %get3A_1 = arith.constant 0 : index
    %get3A_2 = vector.load %arg1[%get3A, %get3A_0, %get3A_1] : memref<2x2000x128xf32, #tpu.memory_space<vmem>>, vector<1x2000x128xf32>
    %get3A_3 = vector.shape_cast %get3A_2 : vector<1x2000x128xf32> to vector<2000x128xf32>
    %get3A_4 = arith.constant 1 : index
    %get3A_5 = arith.constant 0 : index
    %get3A_6 = arith.constant 0 : index
    %get3A_7 = vector.load %arg1[%get3A_4, %get3A_5, %get3A_6] : memref<2x2000x128xf32, #tpu.memory_space<vmem>>, vector<1x2000x128xf32>
    %get3A_8 = vector.shape_cast %get3A_7 : vector<1x2000x128xf32> to vector<2000x128xf32>
    %add3A = arith.addf %get3A_3, %get3A_8 : vector<2000x128xf32>
    %get3A_9 = arith.constant 0 : index
    %get3A_10 = arith.constant 0 : index
    %get3A_11 = vector.load %arg2[%get3A_9, %get3A_10] : memref<128x128xf32, #tpu.memory_space<vmem>>, vector<128x128xf32>
    %dot_general3A = arith.constant dense<0.000000e+00> : vector<2000x128xf32>
    %dot_general3A_12 = tpu.matmul %add3A, %get3A_11, %dot_general3A {dimension_numbers = #tpu.dot_dimension_numbers<[1], [0], [0], [1], [0, 0, 1, 1], [], []>, transpose_lhs_hint = false} : vector<2000x128xf32>, vector<128x128xf32>, vector<2000x128xf32> -> vector<2000x128xf32>
    %get3A_13 = arith.constant 0 : index
    %get3A_14 = arith.constant 0 : index
    %get3A_15 = vector.load %arg3[%get3A_13, %get3A_14] : memref<1x128xf32, #tpu.memory_space<vmem>>, vector<1x128xf32>
    %add3A_16 = vector.broadcast %get3A_15 : vector<1x128xf32> to vector<2000x128xf32>
    %add3A_17 = arith.addf %dot_general3A_12, %add3A_16 : vector<2000x128xf32>
    %get3A_18 = arith.constant 0 : index
    %get3A_19 = arith.constant 0 : index
    %get3A_20 = memref.load %arg4[%get3A_18, %get3A_19] : memref<1x1xf32, #tpu.memory_space<smem>>
    %ge3A = arith.constant 0.000000e+00 : f32
    %ge3A_21 = vector.broadcast %ge3A : f32 to vector<2000x128xf32>
    %ge3A_22 = arith.cmpf oge, %add3A_17, %ge3A_21 : vector<2000x128xf32>
    %mul3A = vector.broadcast %get3A_20 : f32 to vector<2000x128xf32>
    %mul3A_23 = arith.mulf %mul3A, %add3A_17 : vector<2000x128xf32>
    %select_n3A = arith.select %ge3A_22, %add3A_17, %mul3A_23 : vector<2000x128xi1>, vector<2000x128xf32>
    %reduce_max3A = arith.constant dense<0xFF800000> : vector<2000xf32>
    %reduce_max3A_24 = vector.multi_reduction <maximumf>, %select_n3A, %reduce_max3A [1] : vector<2000x128xf32> to vector<2000xf32>
    %broadcast_in_dim3A = vector.shape_cast %reduce_max3A_24 : vector<2000xf32> to vector<2000x1xf32>
    %sub3A = vector.broadcast %broadcast_in_dim3A : vector<2000x1xf32> to vector<2000x128xf32>
    %sub3A_25 = arith.subf %select_n3A, %sub3A : vector<2000x128xf32>
    %exp3A = math.exp %sub3A_25 : vector<2000x128xf32>
    %reduce_sum3A = arith.constant dense<0.000000e+00> : vector<2000xf32>
    %reduce_sum3A_26 = vector.multi_reduction <add>, %exp3A, %reduce_sum3A [1] : vector<2000x128xf32> to vector<2000xf32>
    %broadcast_in_dim3A_27 = vector.shape_cast %reduce_sum3A_26 : vector<2000xf32> to vector<2000x1xf32>
    %div3A = vector.broadcast %broadcast_in_dim3A_27 : vector<2000x1xf32> to vector<2000x128xf32>
    %div3A_28 = arith.divf %exp3A, %div3A : vector<2000x128xf32>
    %swap3A = arith.constant 0 : index
    %swap3A_29 = arith.constant 0 : index
    %swap3A_30 = vector.load %arg5[%swap3A, %swap3A_29] : memref<2000x128xf32, #tpu.memory_space<vmem>>, vector<2000x128xf32>
    tpu.vector_store %arg5[%swap3A, %swap3A_29], %div3A_28 {strides = array<i32>} : memref<2000x128xf32, #tpu.memory_space<vmem>>, vector<2000x128xf32>,
    return
  }
  func.func @transform_0(%arg0: i32) -> (i32, i32, i32) {
    %c0_i32 = arith.constant 0 : i32
    %c0_i32_0 = arith.constant 0 : i32
    %c0_i32_1 = arith.constant 0 : i32
    return %c0_i32, %arg0, %c0_i32_0 : i32, i32, i32
  }
  func.func @transform_1(%arg0: i32) -> (i32, i32) {
    %c0_i32 = arith.constant 0 : i32
    %c0_i32_0 = arith.constant 0 : i32
    %c0_i32_1 = arith.constant 0 : i32
    return %c0_i32, %c0_i32_0 : i32, i32
  }
  func.func @transform_2(%arg0: i32) -> (i32, i32) {
    %c0_i32 = arith.constant 0 : i32
    %c0_i32_0 = arith.constant 0 : i32
    %c0_i32_1 = arith.constant 0 : i32
    return %c0_i32, %c0_i32_0 : i32, i32
  }
  func.func @transform_3(%arg0: i32) -> (i32, i32) {
    %c0_i32 = arith.constant 0 : i32
    %c0_i32_0 = arith.constant 0 : i32
    %c0_i32_1 = arith.constant 0 : i32
    return %c0_i32, %c0_i32_0 : i32, i32
  }
  func.func @transform_4(%arg0: i32) -> (i32, i32) {
    %c0_i32 = arith.constant 0 : i32
    %c0_i32_0 = arith.constant 0 : i32
    return %arg0, %c0_i32 : i32, i32
  }
}

</mosaic_0001>

<sc_bundles>
// kernel: kernel.4.cloned.1.call-start
scs
__scs_entry_jumppad:
0x0: {  	(pc) =	sbr.rel $0x88, $3  }
0x1: {  	(tag) =	ssettag $0x0;
	lr =	simm.s32 $0x1  }
0x2: {  	[smem:$0x3F9C] =	sst lr;
	_ =	strace $0xD0000000  }
0x3: {  	_ = 	snop  }
0x4: {  	_ = 	snop  }
0x5: {  	_ = 	snop  }
0x6: {  	_ = 	snop  }
0x7: {  	_ = 	snop  }
__scs_overlays_trampoline_lowered:
0x8: {  	[smem:$0x3FAB] =	sst s0  }
0x9: {  	[smem:$0x3FAC] =	sst s1  }
0xa: {  	[smem:$0x3FAD] =	sst s2  }
0xb: {  	[smem:$0x3FAE] =	sst s3  }
0xc: {  	[smem:$0x3FAF] =	sst s4  }
0xd: {  	[smem:$0x3FB0] =	sst s5  }
0xe: {  	[smem:$0x3FB1] =	sst s6  }
0xf: {  	[smem:$0x3FB2] =	sst s7  }
0x10: {  	[smem:$0x3FB3] =	sst s8  }
0x11: {  	[smem:$0x3FB4] =	sst s9;
	s0 =	simm.s32 @!p0 $0x0  }
0x12: {  	s1 =	sld [smem:$0x3F9A];
	s0 =	simm.s32 @p0 $0x1  }
0x13: {  	[smem:$0x3FB5] =	sst s0;
	s0 =	simm.s32 @!p1 $0x0  }
0x14: {  	s2 =	sld [smem:$0x3F99];
	s0 =	simm.s32 @p1 $0x1  }
0x15: {  	[smem:$0x3FB6] =	sst s0;
	s0 =	simm.s32 @!p2 $0x0  }
0x16: {  	s3 =	sld [smem:$0x3FDB];
	s0 =	simm.s32 @p2 $0x1  }
0x17: {  	s4 =	simm.s32 $0x1BF5;
	[smem:$0x3FB8] =	sst s0  }
0x18: {  	s0 =	sld [smem:$0x3F9B];
	_ =	swait.ge [sflag:s4], $0x0  }
0x19: {  	s7 =	sld [smem:$0x3F9C]  }
0x1a: {  	s8 =	sadd.s32 $0xFFFFE003, lr  }
0x1b: {  	s9 =	sadd.s32 $0xFFFFFEF7, lr;
	s5 =	simm.s32 $0xFFFFFFFF;
	p2 =	slt.u32 s8, $0xFFFFF086  }
0x1c: {  	p1 =	slt.u32 s9, $0xF7A;
	s5 =	simm.s32 @!p2 $0x0  }
0x1d: {  	s5 =	simm.s32 @p1 $0x1;
	p0 =	seq.s32 s7, s2  }
0x1e: {  	s7 =	smul.u32 @!p0 $0xF7A, s2;
	p2 =	seq.s32 @!p0 s5, $0x0  }
0x1f: {  	s9 =	smul.u32 $0xF7A, s1;
	s8 =	simm.s32 @!p0 $0x1BF5;
	p2 =	por !p2, p0  }
0x20: {  	[sflag:s8] =	ssyncset.s32 @!p0 $0xFFFFF086;
	s6 =	sadd.s32 @!p0 s3, s7;
	s7 =	simm.s32 @!p0 $0x108  }
0x21: {  	s3 =	sadd.s32 s3, s9;
	s6 =	sadd.s32 @!p0 $0x88, s6;
	s7 =	simm.s32 @p2 $0x1082  }
0x22: {  	[simem:s7], [sflag:s8] =	dma.local @!p0 [hbm:s6], $0xF7A  }
0x23: {  	s9 =	sor.u32 $0xD0000000, s2;
	s6 =	simm.s32 $0x108;
	_ =	swait.ge @!p0 [sflag:s8], $0x0  }
0x24: {  	s3 =	sadd.s32 $0x88, s3;
	s6 =	simm.s32 @!p1 $0x1082;
	[sflag:s4] =	ssyncset.s32 $0xFFFFF086  }
0x25: {  	[simem:s6], [sflag:s4] =	dma.local [hbm:s3], $0xF7A  }
0x26: {  	[smem:$0x3F9C] =	sst s1;
	(tag) =	ssettag s2;
	_ =	strace s9  }
0x27: {  	s1 =	sld [smem:$0x3FAC]  }
0x28: {  	s2 =	sld [smem:$0x3FAD]  }
0x29: {  	s4 =	sld [smem:$0x3FAF]  }
0x2a: {  	p0 =	seq.s32 s5, $0x0;
	s5 =	sld [smem:$0x3FB0]  }
0x2b: {  	s6 =	sld [smem:$0x3FB1]  }
0x2c: {  	s7 =	sld [smem:$0x3FB2]  }
0x2d: {  	s3 =	simm.s32 $0x108;
	s8 =	sld [smem:$0x3FB3]  }
0x2e: {  	s3 =	simm.s32 @!p0 $0x1082;
	s9 =	sld [smem:$0x3FB4]  }
0x2f: {  	lr =	sadd.s32 s0, s3;
	s0 =	sld [smem:$0x3FAB]  }
0x30: {  	s3 =	sld [smem:$0x3FAE]  }
0x31: {  	[smem:$0x3FB7] =	sst s10  }
0x32: {  	s10 =	sld [smem:$0x3FB5];
	_ =	sdelay $0x3  }
0x33: {  	p0 =	seq.s32 s10, $0x1;
	s10 =	sld [smem:$0x3FB7];
	_ =	sdelay $0x3  }
0x34: {  	[smem:$0x3FB7] =	sst s10  }
0x35: {  	s10 =	sld [smem:$0x3FB6];
	_ =	sdelay $0x3  }
0x36: {  	p1 =	seq.s32 s10, $0x1;
	s10 =	sld [smem:$0x3FB7];
	_ =	sdelay $0x3  }
0x37: {  	[smem:$0x3FB7] =	sst s10  }
0x38: {  	s10 =	sld [smem:$0x3FB8]  }
0x39: {  	_ = 	snop;
	(pc) =	sbr.ind lr, $3  }
0x3a: {  	_ = 	snop  }
0x3b: {  	_ = 	snop  }
0x3c: {  	p2 =	seq.s32 s10, $0x1;
	s10 =	sld [smem:$0x3FB7]  }
0x3d: {  	_ =	shalt  }
0x3e: {  	_ =	shalt  }
0x3f: {  	_ =	shalt  }
0x40: {  	_ =	shalt  }
0x41: {  	_ =	shalt  }
0x42: {  	_ =	shalt  }
0x43: {  	_ =	shalt  }
0x44: {  	_ =	shalt  }
0x45: {  	_ =	shalt  }
0x46: {  	_ =	shalt  }
0x47: {  	_ =	shalt  }
0x48: {  	_ =	shalt  }
0x49: {  	_ =	shalt  }
0x4a: {  	_ =	shalt  }
0x4b: {  	_ =	shalt  }
0x4c: {  	_ =	shalt  }
0x4d: {  	_ =	shalt  }
0x4e: {  	_ =	shalt  }
0x4f: {  	_ =	shalt  }
0x50: {  	_ =	shalt  }
0x51: {  	_ =	shalt  }
0x52: {  	_ =	shalt  }
0x53: {  	_ =	shalt  }
0x54: {  	_ =	shalt  }
0x55: {  	_ =	shalt  }
0x56: {  	_ =	shalt  }
0x57: {  	_ =	shalt  }
0x58: {  	_ =	shalt  }
0x59: {  	_ =	shalt  }
0x5a: {  	_ =	shalt  }
0x5b: {  	_ =	shalt  }
0x5c: {  	_ =	shalt  }
0x5d: {  	_ =	shalt  }
0x5e: {  	_ =	shalt  }
0x5f: {  	_ =	shalt  }
0x60: {  	_ =	shalt  }
0x61: {  	_ =	shalt  }
0x62: {  	_ =	shalt  }
0x63: {  	_ =	shalt  }
0x64: {  	_ =	shalt  }
0x65: {  	_ =	shalt  }
0x66: {  	_ =	shalt  }
0x67: {  	_ =	shalt  }
0x68: {  	_ =	shalt  }
0x69: {  	_ =	shalt  }
0x6a: {  	_ =	shalt  }
0x6b: {  	_ =	shalt  }
0x6c: {  	_ =	shalt  }
0x6d: {  	_ =	shalt  }
0x6e: {  	_ =	shalt  }
0x6f: {  	_ =	shalt  }
0x70: {  	_ =	shalt  }
0x71: {  	_ =	shalt  }
0x72: {  	_ =	shalt  }
0x73: {  	_ =	shalt  }
0x74: {  	_ =	shalt  }
0x75: {  	_ =	shalt  }
0x76: {  	_ =	shalt  }
0x77: {  	_ =	shalt  }
0x78: {  	_ =	shalt  }
0x79: {  	_ =	shalt  }
0x7a: {  	_ =	shalt  }
0x7b: {  	_ =	shalt  }
0x7c: {  	_ =	shalt  }
0x7d: {  	_ =	shalt  }
0x7e: {  	_ =	shalt  }
0x7f: {  	_ =	shalt  }
0x80: {  	_ =	shalt  }
0x81: {  	_ =	shalt  }
0x82: {  	_ =	shalt  }
0x83: {  	_ =	shalt  }
0x84: {  	_ =	shalt  }
0x85: {  	_ =	shalt  }
0x86: {  	_ =	shalt  }
0x87: {  	_ =	shalt  }
.Lfunc_end0:
.L_simem_size_0:
called_computation_lowered:
.L_overlay_start_0:
0x88: {  	s2 =	sld [smem:$0x3FD9]  }
0x89: {  	s3 =	sld [smem:$0x3FFE];
	_ =	sdelay $0x1  }
0x8a: {  	s1 =	srdreg.scid  }
0x8b: {  	s0 =	sand.u32 $0x1, s1  }
0x8c: {  	s17 =	sshll.u32 s0, $0xA;
	s2 =	sadd.s32 s3, s2  }
0x8d: {  	s2 =	sadd.s32 s2, s17  }
0x8e: {  	[smem:$0x3FC3] =	sst s2  }
0x8f: {  	_ = 	snop  }
0x90: {  	s2 =	sld [smem:$0x3FC9]  }
0x91: {  	s18 =	sld [smem:$0x3FD0];
	(tm) =	ssettm $0x1  }
0x92: {  	s4 =	sld [smem:$0x3FFB];
	_ =	sdelay $0x3  }
0x93: {  	_ =	strace s4  }
0x94: {  	s4 =	sld [smem:$0x3FFC];
	_ =	sdelay $0x3  }
0x95: {  	_ =	strace s4  }
0x96: {  	s4 =	sld [smem:$0x3FFD];
	_ =	sdelay $0x3  }
0x97: {  	_ =	strace s4  }
0x98: {  	_ =	strace $0x8FFFFFFF  }
0x99: {  	s19 =	sld [smem:$0x3FDB];
	_ =	sdelay $0x1  }
0x9a: {  	s5 =	simm.s32 $_scs_section_size  }
0x9b: {  	s6 =	simm.s32 $_size__tile_overlayer_lowered;
	s7 =	simm.s32 $_tile_overlayer_lowered  }
0x9c: {  	s22 =	simm.s32 $0x1BFF;
	s21 =	sshll.u32 s7, $0x1;
	s4 =	sadd.s32 s5, s19  }
0x9d: {  	s8 =	simm.s32 $0x0;
	s20 =	sshll.u32 s6, $0x1;
	s6 =	sadd.s32 s21, s4  }
0x9e: {  	[timem:s8], [sflag:s22] =	dma.local [hbm:s6], s20  }
0x9f: {  	_ =	swait.ge [sflag:s22], s20  }
0xa0: {  	s5 =	ssub.s32 $0x0, s20;
	[sflag:s22] =	ssyncset.done $0x0  }
0xa1: {  	[sflag:s22] =	ssyncadd.s32 s5;
	_ =	sdelay $0x1  }
0xa2: {  	s23 =	simm.s32 $0x1B8B  }
0xa3: {  	_ =	swait.ge [sflag:s23], $0x1  }
0xa4: {  	[sflag:s23] =	ssyncset.done $0x0  }
0xa5: {  	s25 =	simm.s32 $0x1B8E;
	s24 =	sld [smem:$0x3FFE];
	[sflag:s23] =	ssyncadd.s32 $0xFFFFFFFF  }
0xa6: {  	s26 =	simm.s32 $execute0_lowered;
	[smem:$0x3FD2] =	sst s25  }
0xa7: {  	s6 =	sshll.u32 s26, $0x1;
	_ =	strace $0x80000046;
	[dreg:$0x1] =	wrdreg $0xFFFFFFFF  }
0xa8: {  	s28 =	simm.s32 $_size_execute0_lowered;
	s4 =	sadd.s32 s4, s6;
	[dreg:$0x0] =	wrdreg $0x0  }
0xa9: {  	s6 =	sshll.u32 s28, $0x1;
	[dreg:$0x2] =	wrdreg s4  }
0xaa: {  	[dreg:$0x3] =	wrdreg s6  }
0xab: {  	[dreg:$0x4] =	wrdreg $0xC0  }
0xac: {  	_ =	task [dreg:s8], $0x5FFFF  }
0xad: {  	[dreg:$0x1] =	wrdreg $0xFFFFFFFF  }
0xae: {  	[dreg:$0x0] =	wrdreg $0x60  }
0xaf: {  	[dreg:$0x2] =	wrdreg s2  }
0xb0: {  	[dreg:$0x3] =	wrdreg s18  }
0xb1: {  	[dreg:$0x4] =	wrdreg s24  }
0xb2: {  	[dreg:$0x5] =	wrdreg $0x0  }
0xb3: {  	[dreg:$0x6] =	wrdreg $0x9  }
0xb4: {  	_ =	task.clear_ibuf [dreg:s8], $0x7FFFF;
	_ =	strace $0x90000046  }
0xb5: {  	s29 =	simm.s32 $0x9;
	_ =	strace $0x80000048  }
0xb6: {  	_ =	swait.ge [sflag:s29], $0x1  }
0xb7: {  	[sflag:s29] =	ssyncadd.s32 $0xFFFFFFFF  }
0xb8: {  	_ =	strace $0x90000048  }
0xb9: {  	_ =	sfence  }
0xba: {  	s30 =	sld [smem:$0x0];
	_ =	sdelay $0x2  }
0xbb: {  	s31 =	sshll.u32 s1, $0xD;
	s1 =	sshrl.u32 s1, $0x2  }
0xbc: {  	s3 =	sand.u32 $0x4000, s31;
	s1 =	sadd.s32 s1, s30  }
0xbd: {  	s0 =	sor.u32 s3, s0;
	s1 =	sshll.u32 s1, $0x11  }
0xbe: {  	s0 =	sor.u32 s1, s0  }
0xbf: {  	s0 =	sadd.s32 $0x8F2B, s0  }
0xc0: {  	[sflag:s0] =	ssyncadd.remote.s32 $0x1  }
0xc1: {  	_ =	sfence.sel $0xFFFF  }
0xc2: {  	[dreg:$0x0] =	wrdreg $0xFFFFFFFF;
	(pc) =	sbr.abs _section_cstart, $3  }
0xc3: {  	[dreg:$0x1] =	wrdreg $0xFFFFFFFF  }
0xc4: {  	_ =	task.clear_ibuf [dreg:s8], $0x2FFFF;
	_ =	strace $0x9FFFFFFF  }
0xc5: {  	(tm) =	ssettm $0x7FFFFFFF  }
tec
execute0_lowered:
.L_overlay_start_1:
0x0: {  	(tag) =	ssettag $0x1  }
0x1: {  	s1 =	rddreg [dreg:$0x0]  }
0x2: {  	s13 =	rddreg [dreg:$0x1]  }
0x3: {  	s0 =	rddreg [dreg:$0x2]  }
0x4: {  	s4 =	rddreg [dreg:$0x3]  }
0x5: {  	s12 =	stileid.u32;
	s2 =	srdreg.scid;
	s5 =	simm.s32 $0x0  }
0x6: {  	s28 =	simm.s32 $0xC;
	s3 =	smul.u32 $0x14000, s12;
	s2 =	sand.u32 $0x1, s2  }
0x7: {  	[smem:$0x7FF] =	sst s5;
	s6 =	sadd.s32 $0x200, s0;
	s24 =	smul.u32 $0x50000, s12  }
0x8: {  	s9 =	sshll.u32 s12, $0x1;
	s30 =	sshll.u32 s12, $0x6;
	s16 =	smul.u32 $0x5000, s12  }
0x9: {  	s12 =	simm.s32 $0x5;
	s7 =	smul.u32 $0x140000, s2;
	_ =	strace $0x80000047  }
0xa: {  	s25 =	ssub.s32 $0x2, s2;
	s9 =	sor.u32 s2, s9;
	s29 =	sor.u32 $0x1C0D, s30  }
0xb: {  	s2 =	smul.u32 $0x2800, s2;
	s8 =	sshrl.u32 s3, $0x3;
	s10 =	sshrl.u32 s25, $0x1  }
0xc: {  	s11 =	sshrl.u32 s24, $0x2;
	[dreg:$0x7] =	wrdreg s29;
	s8 =	sadd.s32 s8, s0  }
0xd: {  	s3 =	sadd.s32 s3, s7;
	s7 =	smul.u32 $0x2800, s9;
	s26 =	sadd.s32 s11, s4  }
0xe: {  	s2 =	sadd.s32 s2, s16;
	s9 =	simm.s32 $0x1C180;
	s16 =	simm.s32 $0x7  }
0xf: {  	s11 =	simm.s32 $0x4;
	s3 =	sshrl.u32 s3, $0x3;
	[dreg:$0x5] =	wrdreg s26  }
0x10: {  	s8 =	sadd.s32 $0xA200, s8;
	s23 =	sor.u32 $0x180, s2;
	s26 =	sor.u32 $0x380, s2  }
0x11: {  	s30 =	sor.u32 $0x280, s2;
	s2 =	sor.u32 $0x300, s2;
	s0 =	sadd.s32 s3, s0  }
0x12: {  	s3 =	ssub.s32 s25, s10;
	[dreg:$0x6] =	wrdreg s8;
	s31 =	sshrl.u32 s7, $0x3  }
0x13: {  	s25 =	sshrl.u32 s23, $0x3;
	s14 =	sadd.s32 s13, s31;
	s15 =	sadd.s32 s6, s31  }
0x14: {  	s17 =	sor.u32 $0x10, s31;
	s18 =	sor.u32 $0x20, s31;
	s8 =	sor.u32 $0x30, s31  }
0x15: {  	s0 =	sadd.s32 $0x32200, s0;
	s24 =	smax.u32 s3, $0x1;
	s3 =	sshrl.u32 s30, $0x3  }
0x16: {  	s31 =	sshrl.u32 s2, $0x3;
	s2 =	simm.s32 $0xD;
	[dreg:$0x8] =	wrdreg s14  }
0x17: {  	[dreg:$0x9] =	wrdreg s15;
	s19 =	sadd.s32 s13, s17;
	s10 =	sadd.s32 s6, s17  }
0x18: {  	s20 =	sadd.s32 s13, s18;
	s21 =	sadd.s32 s6, s18;
	[dreg:$0x10] =	wrdreg s0  }
0x19: {  	s22 =	sadd.s32 s13, s8;
	s8 =	sadd.s32 s6, s8;
	[dreg:$0x11] =	wrdreg s24  }
0x1a: {  	s0 =	sshrl.u32 s26, $0x3;
	s23 =	sadd.s32 s3, s6;
	[dreg:$0xa] =	wrdreg s19  }
0x1b: {  	s24 =	sadd.s32 s3, s13;
	s26 =	sadd.s32 s31, s13;
	[dreg:$0xb] =	wrdreg s10  }
0x1c: {  	s14 =	simm.s32 $0x14000;
	s15 =	simm.s32 $0x1;
	[dreg:$0xc] =	wrdreg s20  }
.Ltmp0:
0x1d: {  	s17 =	simm.s32 $0x18000;
	[dreg:$0xd] =	wrdreg s21;
	(pc) =	sbr.rel .LBB2_1-.Ltmp0, $4  }
0x1e: {  	s18 =	simm.s32 $0x2;
	s3 =	simm.s32 $0x6;
	[dreg:$0xe] =	wrdreg s22  }
0x1f: {  	[dreg:$0xf] =	wrdreg s8;
	s21 =	sadd.s32 s25, s6;
	s22 =	sadd.s32 s0, s13  }
0x20: {  	s25 =	sadd.s32 s31, s6;
	s13 =	simm.s32 $0x80;
	s19 =	simm.s32 $0x8  }
0x21: {  	s20 =	simm.s32 $0xB;
	s10 =	simm.s32 $0x9;
	s8 =	simm.s32 $0x0  }
.LBB2_7:
0x22: {  	_ =	swait.ge [sflag:s20], $0x4000  }
0x23: {  	[sflag:s20] =	ssyncset.done $0x0  }
0x24: {  	[sflag:s20] =	ssyncadd.s32 $0xFFFFC000  }
0x25: {  	_ =	swait.ge [sflag:s28], $0x4000  }
0x26: {  	[sflag:s28] =	ssyncset.done $0x0  }
0x27: {  	[sflag:s28] =	ssyncadd.s32 $0xFFFFC000  }
0x28: {  	[bflag:$0x0] =	sbarrier.arrive $0xFFFF  }
0x29: {  	s29 =	rddreg [dreg:$0x7]  }
0x2a: {  	s0 =	rddreg [dreg:$0x10]  }
0x2b: {  	s2 =	rddreg [dreg:$0x13]  }
0x2c: {  	[hbm:s0], [sflag:s29] =	dma.local [spmem:s2], $0x2800  }
0x2d: {  	s2 =	simm.s32 $0xD  }
0x2e: {  	_ =	swait.ge [sflag:s2], $0x2800  }
0x2f: {  	s8 =	rddreg [dreg:$0x12]  }
0x30: {  	s31 =	rddreg [dreg:$0x11];
	s8 =	sadd.s32 $0x1, s8  }
0x31: {  	p0 =	sne.s32 s8, s31  }
.Ltmp1:
0x32: {  	_ = 	snop;
	(pc) =	sbr.rel @!p0 .LBB2_8-.Ltmp1, $3  }
0x33: {  	_ =	sdelay $0x1  }
0x34: {  	[sflag:s2] =	ssyncset.done $0x0  }
0x35: {  	[sflag:s2] =	ssyncadd.s32 $0xFFFFD800  }
.LBB2_1:
0x36: {  	[dreg:$0x12] =	wrdreg s8  }
0x37: {  	s0 =	rddreg [dreg:$0x5]  }
0x38: {  	s31 =	rddreg [dreg:$0x6];
	s0 =	sshrl.u32 s0, $0x3  }
0x39: {  	[dreg:$0x13] =	wrdreg s0  }
0x3a: {  	[spmem:s0], [sflag:s29] =	dma.local [hbm:s31], $0x2800  }
0x3b: {  	_ =	swait.ge [sflag:s2], $0x2800  }
0x3c: {  	[sflag:s2] =	ssyncset.done $0x0  }
0x3d: {  	[sflag:s2] =	ssyncadd.s32 $0xFFFFD800  }
0x3e: {  	[bflag:$0x0] =	sbarrier.arrive $0xFFFF  }
0x3f: {  	s2 =	simm.s32 $0x1C000;
	s31 =	rddreg [dreg:$0x8]  }
0x40: {  	[tilespmem:s2], [sflag:$0x3] =	stream.linear.gather [hbm4b:s31+s5], $0x80, $0x38;
	[tilespmem:$0x1C400] =	vst v63  }
0x41: {  	s8 =	rddreg [dreg:$0x9];
	s31 =	simm.s32 $0x1C200  }
0x42: {  	[tilespmem:s31], [sflag:$0x7] =	stream.linear.gather [hbm4b:s8+s5], $0x80, $0x38;
	[tilespmem:$0x1C400] =	vst v63  }
0x43: {  	s8 =	rddreg [dreg:$0xa];
	s31 =	simm.s32 $0x1C080  }
0x44: {  	[tilespmem:s31], [sflag:$0x4] =	stream.linear.gather [hbm4b:s8+s5], $0x80, $0x38;
	[tilespmem:$0x1C400] =	vst v63  }
0x45: {  	s8 =	rddreg [dreg:$0xb];
	s31 =	simm.s32 $0x1C280  }
0x46: {  	[tilespmem:s31], [sflag:$0x8] =	stream.linear.gather [hbm4b:s8+s5], $0x80, $0x38;
	[tilespmem:$0x1C400] =	vst v63  }
0x47: {  	s8 =	rddreg [dreg:$0xc];
	s31 =	simm.s32 $0x1C100  }
0x48: {  	[tilespmem:s31], [sflag:$0x5] =	stream.linear.gather [hbm4b:s8+s5], $0x80, $0x38;
	[tilespmem:$0x1C400] =	vst v63  }
0x49: {  	s8 =	rddreg [dreg:$0xd];
	s31 =	simm.s32 $0x1C300  }
0x4a: {  	[tilespmem:s31], [sflag:$0x9] =	stream.linear.gather [hbm4b:s8+s5], $0x80, $0x38;
	[tilespmem:$0x1C400] =	vst v63  }
0x4b: {  	s31 =	rddreg [dreg:$0xe]  }
0x4c: {  	[tilespmem:s9], [sflag:$0x6] =	stream.linear.gather [hbm4b:s31+s5], $0x80, $0x38;
	[tilespmem:$0x1C400] =	vst v63  }
0x4d: {  	s8 =	rddreg [dreg:$0xf];
	s31 =	simm.s32 $0x1C380  }
0x4e: {  	[tilespmem:s31], [sflag:$0xA] =	stream.linear.gather [hbm4b:s8+s5], $0x80, $0x38;
	[tilespmem:$0x1C400] =	vst v63  }
.Ltmp2:
0x4f: {  	s31 =	simm.s32 $0x3;
	(pc) =	sbr.rel .LBB2_2-.Ltmp2, $4  }
0x50: {  	_ =	swait.ge [sflag:s31], $0x80  }
0x51: {  	[sflag:s31] =	ssyncset.done $0x0  }
0x52: {  	s30 =	simm.s32 $0x0;
	s29 =	simm.s32 $0x4;
	[sflag:s31] =	ssyncadd.s32 $0xFFFFFF80  }
0x53: {  	[tilespmem:s14], [sflag:$0x1] =	stream.indirect.gather [hbm4b:s1+s13], $0x80, s2, s13, $0xb8;
	[tilespmem:$0x1C400] =	vst v63  }
.LBB2_3:
0x54: {  	s31 =	simm.s32 $0x4  }
0x55: {  	_ =	swait.ge [sflag:s31], $0x80  }
0x56: {  	[sflag:s31] =	ssyncset.done $0x0  }
0x57: {  	s0 =	simm.s32 $0x1C080;
	[sflag:s31] =	ssyncadd.s32 $0xFFFFFF80  }
0x58: {  	[tilespmem:s17], [sflag:$0x2] =	stream.indirect.gather [hbm4b:s1+s13], $0x80, s0, s13, $0xb8;
	[tilespmem:$0x1C400] =	vst v63  }
.LBB2_5:
0x59: {  	s0 =	sshll.u32 s31, $0x7  }
0x5a: {  	s0 =	sadd.s32 s7, s0  }
0x5b: {  	s2 =	rddreg [dreg:$0x1];
	s0 =	sshrl.u32 s0, $0x3  }
0x5c: {  	s8 =	simm.s32 $0x1C000;
	p0 =	por $0x0, $0x0;
	s0 =	sadd.s32 s2, s0  }
0x5d: {  	[tilespmem:s8], [sflag:$0x3] =	stream.linear.gather [hbm4b:s0+s5], $0x80, $0x38;
	[tilespmem:$0x1C400] =	vst v63  }
.LBB2_6:
0x5e: {  	_ =	swait.ge [sflag:s18], $0x4000  }
0x5f: {  	[sflag:s18] =	ssyncset.done $0x0  }
0x60: {  	[sflag:s18] =	ssyncadd.s32 $0xFFFFC000  }
0x61: {  	_ =	swait.ge [sflag:s19], $0x80  }
0x62: {  	[sflag:s19] =	ssyncset.done $0x0  }
0x63: {  	s0 =	simm.s32 $0x1C280;
	[sflag:s19] =	ssyncadd.s32 $0xFFFFFF80  }
0x64: {  	[spmem:s4] =	stream.indirect.scatter.add.f32 [tilespmem:s17], [sflag:$0xC], $0x80, s0, s13, $0xb8;
	[tilespmem:$0x1C400] =	vst v63  }
0x65: {  	_ =	swait.ge [sflag:s20], $0x4000  }
0x66: {  	[sflag:s20] =	ssyncset.done $0x0  }
0x67: {  	[sflag:s20] =	ssyncadd.s32 $0xFFFFC000  }
0x68: {  	s0 =	sshll.u32 @!p0 s31, $0x7;
	_ =	swait.ge [sflag:s12], $0x80  }
0x69: {  	s0 =	sadd.s32 @!p0 s7, s0;
	[sflag:s12] =	ssyncset.done $0x0  }
0x6a: {  	s2 =	simm.s32 $0x1C100;
	s0 =	sshrl.u32 @!p0 s0, $0x3;
	[sflag:s12] =	ssyncadd.s32 $0xFFFFFF80  }
0x6b: {  	[tilespmem:s14], [sflag:$0x1] =	stream.indirect.gather [hbm4b:s1+s13], $0x80, s2, s13, $0xb8;
	[tilespmem:$0x1C400] =	vst v63  }
0x6c: {  	s31 =	simm.s32 @!p0 $0x0;
	s0 =	sadd.s32 @!p0 s6, s0;
	s2 =	simm.s32 @!p0 $0x1C200  }
0x6d: {  	[tilespmem:s2], [sflag:$0x7] =	stream.linear.gather @!p0 [hbm4b:s0+s31], $0x80, $0x38;
	[tilespmem:$0x1C400] =	vst v63  }
0x6e: {  	s0 =	sadd.s32 @!p0 s30, s24;
	s2 =	simm.s32 @!p0 $0x1C080  }
0x6f: {  	[tilespmem:s2], [sflag:$0x4] =	stream.linear.gather @!p0 [hbm4b:s0+s31], $0x80, $0x38;
	[tilespmem:$0x1C400] =	vst v63  }
0x70: {  	_ =	swait.ge [sflag:s15], $0x4000  }
0x71: {  	[sflag:s15] =	ssyncset.done $0x0  }
0x72: {  	[sflag:s15] =	ssyncadd.s32 $0xFFFFC000  }
0x73: {  	_ =	swait.ge [sflag:s10], $0x80  }
0x74: {  	[sflag:s10] =	ssyncset.done $0x0  }
0x75: {  	s8 =	simm.s32 $0x1C300;
	[sflag:s10] =	ssyncadd.s32 $0xFFFFFF80  }
0x76: {  	[spmem:s4] =	stream.indirect.scatter.add.f32 [tilespmem:s14], [sflag:$0xB], $0x80, s8, s13, $0xb8;
	[tilespmem:$0x1C400] =	vst v63  }
0x77: {  	_ =	swait.ge [sflag:s28], $0x4000  }
0x78: {  	[sflag:s28] =	ssyncset.done $0x0  }
0x79: {  	[sflag:s28] =	ssyncadd.s32 $0xFFFFC000  }
0x7a: {  	_ =	swait.ge [sflag:s3], $0x80  }
0x7b: {  	[sflag:s3] =	ssyncset.done $0x0  }
0x7c: {  	s0 =	simm.s32 @p0 $0x2;
	[sflag:s3] =	ssyncadd.s32 $0xFFFFFF80  }
0x7d: {  	[tilespmem:s17], [sflag:$0x2] =	stream.indirect.gather [hbm4b:s1+s13], $0x80, s9, s13, $0xb8;
	[tilespmem:$0x1C400] =	vst v63  }
0x7e: {  	_ =	swait.ge @p0 [sflag:s0], $0x4000  }
0x7f: {  	[sflag:s0] =	ssyncset.done @p0 $0x0  }
0x80: {  	[sflag:s0] =	ssyncadd.s32 @p0 $0xFFFFC000;
	s0 =	simm.s32 @p0 $0xA  }
0x81: {  	_ =	swait.ge @p0 [sflag:s0], $0x80  }
0x82: {  	s2 =	simm.s32 @p0 $0x1C380;
	[sflag:s0] =	ssyncset.done @p0 $0x0  }
0x83: {  	s8 =	simm.s32 @p0 $0x18000;
	[sflag:s0] =	ssyncadd.s32 @p0 $0xFFFFFF80;
	s0 =	simm.s32 @p0 $0x80  }
0x84: {  	[spmem:s4] =	stream.indirect.scatter.add.f32 @p0 [tilespmem:s8], [sflag:$0xC], $0x80, s2, s0, $0xb8;
	[tilespmem:$0x1C400] =	vst v63  }
0x85: {  	s0 =	sadd.s32 @!p0 s30, s23;
	s2 =	simm.s32 @!p0 $0x1C280  }
0x86: {  	[tilespmem:s2], [sflag:$0x8] =	stream.linear.gather @!p0 [hbm4b:s0+s31], $0x80, $0x38;
	[tilespmem:$0x1C400] =	vst v63  }
0x87: {  	s0 =	sadd.s32 @!p0 s30, s26;
	s2 =	simm.s32 @!p0 $0x1C100  }
0x88: {  	[tilespmem:s2], [sflag:$0x5] =	stream.linear.gather @!p0 [hbm4b:s0+s31], $0x80, $0x38;
	[tilespmem:$0x1C400] =	vst v63  }
0x89: {  	s0 =	simm.s32 @!p0 $0x2  }
0x8a: {  	_ =	swait.ge @!p0 [sflag:s0], $0x4000  }
0x8b: {  	[sflag:s0] =	ssyncset.done @!p0 $0x0  }
0x8c: {  	[sflag:s0] =	ssyncadd.s32 @!p0 $0xFFFFC000;
	s0 =	simm.s32 @!p0 $0xA  }
0x8d: {  	_ =	swait.ge @!p0 [sflag:s0], $0x80  }
0x8e: {  	s8 =	simm.s32 @!p0 $0x18000;
	[sflag:s0] =	ssyncset.done @!p0 $0x0  }
0x8f: {  	s2 =	simm.s32 @!p0 $0x1C380;
	[sflag:s0] =	ssyncadd.s32 @!p0 $0xFFFFFF80;
	s0 =	simm.s32 @!p0 $0x80  }
0x90: {  	[spmem:s4] =	stream.indirect.scatter.add.f32 @!p0 [tilespmem:s8], [sflag:$0xC], $0x80, s2, s0, $0xb8;
	[tilespmem:$0x1C400] =	vst v63  }
0x91: {  	s2 =	simm.s32 @!p0 $0xB  }
0x92: {  	_ =	swait.ge @!p0 [sflag:s2], $0x4000  }
0x93: {  	[sflag:s2] =	ssyncset.done @!p0 $0x0  }
0x94: {  	[sflag:s2] =	ssyncadd.s32 @!p0 $0xFFFFC000;
	s2 =	simm.s32 @!p0 $0x3  }
0x95: {  	_ =	swait.ge @!p0 [sflag:s2], $0x80  }
0x96: {  	[sflag:s2] =	ssyncset.done @!p0 $0x0  }
0x97: {  	s8 =	simm.s32 @!p0 $0x14000;
	[sflag:s2] =	ssyncadd.s32 @!p0 $0xFFFFFF80;
	s2 =	simm.s32 @!p0 $0x1C000  }
0x98: {  	[tilespmem:s8], [sflag:$0x1] =	stream.indirect.gather @!p0 [hbm4b:s1+s0], $0x80, s2, s0, $0xb8;
	[tilespmem:$0x1C400] =	vst v63  }
0x99: {  	s0 =	sadd.s32 @!p0 s30, s25;
	s2 =	simm.s32 @!p0 $0x1C300  }
0x9a: {  	[tilespmem:s2], [sflag:$0x9] =	stream.linear.gather @!p0 [hbm4b:s0+s31], $0x80, $0x38;
	[tilespmem:$0x1C400] =	vst v63  }
0x9b: {  	s0 =	sadd.s32 @!p0 s30, s22;
	s2 =	simm.s32 @!p0 $0x1C180;
	s30 =	sadd.s32 $0x40, s30  }
0x9c: {  	[tilespmem:s2], [sflag:$0x6] =	stream.linear.gather @!p0 [hbm4b:s0+s31], $0x80, $0x38;
	[tilespmem:$0x1C400] =	vst v63  }
0x9d: {  	p0 =	sne.s32 s30, $0x500  }
.Ltmp3:
0x9e: {  	_ = 	snop;
	(pc) =	sbr.rel @!p0 .LBB2_7-.Ltmp3, $2  }
0x9f: {  	_ =	sdelay $0x2  }
0xa0: {  	s29 =	sadd.s32 $0x4, s29  }
.LBB2_2:
0xa1: {  	_ =	swait.ge [sflag:s15], $0x4000  }
0xa2: {  	p0 =	sne.s32 s30, $0x0;
	[sflag:s15] =	ssyncset.done $0x0  }
.Ltmp4:
0xa3: {  	[sflag:s15] =	ssyncadd.s32 $0xFFFFC000;
	(pc) =	sbr.rel @!p0 .LBB2_3-.Ltmp4, $4  }
0xa4: {  	_ =	swait.ge [sflag:s16], $0x80  }
0xa5: {  	[sflag:s16] =	ssyncset.done $0x0  }
0xa6: {  	s0 =	simm.s32 $0x1C200;
	[sflag:s16] =	ssyncadd.s32 $0xFFFFFF80  }
0xa7: {  	[spmem:s4] =	stream.indirect.scatter.add.f32 [tilespmem:s14], [sflag:$0xB], $0x80, s0, s13, $0xb8;
	[tilespmem:$0x1C400] =	vst v63  }
0xa8: {  	_ =	swait.ge [sflag:s28], $0x4000  }
0xa9: {  	[sflag:s28] =	ssyncset.done $0x0  }
0xaa: {  	[sflag:s28] =	ssyncadd.s32 $0xFFFFC000  }
0xab: {  	_ =	swait.ge [sflag:s11], $0x80  }
0xac: {  	[sflag:s11] =	ssyncset.done $0x0  }
0xad: {  	s0 =	simm.s32 $0x1C080;
	p1 =	seq.s32 s30, $0x4C0;
	[sflag:s11] =	ssyncadd.s32 $0xFFFFFF80  }
0xae: {  	[tilespmem:s17], [sflag:$0x2] =	stream.indirect.gather [hbm4b:s1+s13], $0x80, s0, s13, $0xb8;
	[tilespmem:$0x1C400] =	vst v63  }
.Ltmp5:
0xaf: {  	_ = 	snop;
	(pc) =	sbr.rel @p1 .LBB2_6-.Ltmp5, $4  }
.Ltmp6:
0xb0: {  	_ = 	snop;
	(pc) =	sbr.rel @!p1 .LBB2_5-.Ltmp6, $4  }
0xb1: {  	s31 =	sadd.s32 s30, s21;
	s8 =	simm.s32 $0x1C380  }
0xb2: {  	[tilespmem:s8], [sflag:$0xA] =	stream.linear.gather [hbm4b:s31+s5], $0x80, $0x38;
	[tilespmem:$0x1C400] =	vst v63  }
0xb3: {  	p0 =	por $0x1, $0x1;
	s31 =	smov.u32 s29  }
0xb4: {  	_ = 	snop  }
.LBB2_8:
0xb5: {  	_ =	sfence.sel $0x180000  }
0xb6: {  	[bflag:$0x0] =	sbarrier.arrive $0xFFFF  }
0xb7: {  	_ =	strace $0x90000047  }
0xb8: {  	s0 =	stileid.u32;
	[bflag:$0x2] =	sbarrier.arrive $0xFFFF  }
0xb9: {  	p0 =	sne.s32 s0, $0x0;
	s0 =	rddreg [dreg:$0x4]  }
0xba: {  	s0 =	sadd.s32 @!p0 $0x100000, s0  }
0xbb: {  	[sflag:s0] =	ssyncadd.tile.s32 @!p0 $0x1;
	_ =	shalt  }
.Lfunc_end2:
_tile_overlayer_lowered:
.L_overlay_start_2:
0xbc: {  	(tag) =	ssettag $0x2  }
0xbd: {  	s0 =	rddreg [dreg:$0x0];
	s2 =	stileid.u32  }
0xbe: {  	s1 =	rddreg [dreg:$0x1];
	p0 =	sne.s32 s2, $0x0  }
0xbf: {  	s3 =	rddreg [dreg:$0x2];
	[bflag:$0x3] =	sbarrier.arrive $0xFFFF;
	s2 =	simm.s32 @!p0 $0x1C0D  }
0xc0: {  	[timem:s3], [sflag:s2] =	dma.local @!p0 [hbm:s0], s1  }
0xc1: {  	s0 =	simm.s32 @!p0 $0xD  }
0xc2: {  	_ =	swait.ge @!p0 [sflag:s0], s1  }
0xc3: {  	s1 =	ssub.s32 @!p0 $0x0, s1;
	[sflag:s0] =	ssyncset.done @!p0 $0x0  }
0xc4: {  	[sflag:s0] =	ssyncadd.s32 @!p0 s1  }
0xc5: {  	[bflag:$0x3] =	sbarrier.arrive $0xFFFF  }
0xc6: {  	_ =	shalt  }

</sc_bundles>
